<compile_context>
chip_gen: v7x
topology: tpu7x:2x2x1
jax: 0.10.2.dev20260603
libtpu: 0.0.44.dev20260713+nightly
codegen_flags: <defaults>
</compile_context>

<pallas_src>
import functools

import jax
import jax.numpy as jnp
from jax import lax
from jax.experimental import pallas as pl
from jax.experimental.pallas import tpu as pltpu
from jax.experimental.pallas import tpu_sc as plsc

S = 512
H = 256
D = 128
MAXG = 2

_F32 = jnp.float32


def _sc_gather(token_table, gaz_table, tok_idx, gaz_idx):
    mesh = plsc.VectorSubcoreMesh(core_axis_name="c", subcore_axis_name="s")

    @functools.partial(
        pl.kernel,
        mesh=mesh,
        out_type=[
            jax.ShapeDtypeStruct((S, D), _F32),
            jax.ShapeDtypeStruct((S * MAXG, D), _F32),
        ],
        scratch_types=[
            pltpu.VMEM((16,), jnp.int32),
            pltpu.VMEM((16, D), _F32),
            pltpu.VMEM((32,), jnp.int32),
            pltpu.VMEM((32, D), _F32),
            pltpu.SemaphoreType.DMA,
            pltpu.SemaphoreType.DMA,
        ],
    )
    def gk(tok_tab, gaz_tab, t_idx, g_idx, emb_o, gw_o,
           ti_v, tr_v, gi_v, gr_v, sem1, sem2):
        wid = lax.axis_index("s") * 2 + lax.axis_index("c")
        pltpu.sync_copy(t_idx.at[pl.ds(wid * 16, 16)], ti_v)
        pltpu.sync_copy(g_idx.at[pl.ds(wid * 32, 32)], gi_v)
        cp1 = pltpu.async_copy(tok_tab.at[ti_v], tr_v, sem1)
        cp2 = pltpu.async_copy(gaz_tab.at[gi_v], gr_v, sem2)
        cp1.wait()
        pltpu.sync_copy(tr_v, emb_o.at[pl.ds(wid * 16, 16)])
        cp2.wait()
        pltpu.sync_copy(gr_v, gw_o.at[pl.ds(wid * 32, 32)])

    return gk(token_table, gaz_table, tok_idx, gaz_idx)


def _dot(a, b):
    return jnp.dot(a, b, preferred_element_type=_F32)


def _dotb(a, b):
    return jnp.dot(a.astype(jnp.bfloat16), b, preferred_element_type=_F32)


def _shift3(A1, A2, new6):
    z4 = jnp.zeros((4, H), _F32)
    A0n = jnp.concatenate([A1[0:4], new6[0:2]], axis=0)
    A1n = jnp.concatenate([A2[0:2], new6[2:4], A2[4:6]], axis=0)
    A2n = jnp.concatenate([new6[4:6], z4], axis=0)
    return A0n, A1n, A2n


def _shift3r(A1, A2, new6r):
    z4 = jnp.zeros((4, H), _F32)
    A0n = jnp.concatenate([A1[0:4], new6r[4:6]], axis=0)
    A1n = jnp.concatenate([A2[0:2], new6r[2:4], A2[4:6]], axis=0)
    A2n = jnp.concatenate([new6r[0:2], z4], axis=0)
    return A0n, A1n, A2n


def _gates(g4):
    sg = jax.nn.sigmoid(g4[:, :3 * H])
    return sg[:, :H], sg[:, H:2 * H], sg[:, 2 * H:], jnp.tanh(g4[:, 3 * H:])


def _cnew(c, B0, M0, aw, i_g, f_g, g_g):
    ew = M0 * jnp.exp(jax.nn.sigmoid(aw))
    e0 = jnp.exp(i_g)
    s_e = jnp.sum(ew, axis=0, keepdims=True)
    s_ec = jnp.sum(ew * B0, axis=0, keepdims=True)
    anym = jnp.max(M0, axis=0, keepdims=True)
    c_multi = (e0 * g_g + s_ec) / (e0 + s_e)
    c_plain = f_g * c + i_g * g_g
    return jnp.where(anym > 0.5, c_multi, c_plain)


def _wordcells(wg, c_new):
    sg = jax.nn.sigmoid(wg[:, :2 * H])
    iw, fw_, gw = sg[:, :H], sg[:, H:], jnp.tanh(wg[:, 2 * H:])
    return fw_ * c_new + iw * gw




def _dir_step(tn_idx, st, gx, vb, xw_ref, xl_ref, Wh, Wwh, Wlc, rev):
    (h, c, B0, B1, B2, M0, M1, M2, g4, aw) = st
    i_g, f_g, o_g, g_g = _gates(g4)
    c_n = _cnew(c, B0, M0, aw, i_g, f_g, g_g)
    h_n = o_g * jnp.tanh(c_n)
    wg = gx + _dotb(h_n, Wwh[:, :])
    cw = _wordcells(wg, c_n)
    if rev:
        B0n, B1n, B2n = _shift3r(B1, B2, cw)
        M0n, M1n, M2n = _shift3r(M1, M2, vb)
        cw_dd1 = cw[4:6]
    else:
        cw6 = jnp.concatenate([cw, cw, cw], axis=0)
        B0n, B1n, B2n = _shift3(B1, B2, cw6)
        M0n, M1n, M2n = _shift3(M1, M2, vb)
        cw_dd1 = cw[0:2]
    g4n = xw_ref[pl.ds(tn_idx, 1), :] + _dotb(h_n, Wh[:, :])
    awn = xl_ref[pl.ds(tn_idx, 1), :] + jnp.concatenate(
        [_dotb(B1[0:4], Wlc[:, :]), _dotb(cw_dd1, Wlc[:, :])], axis=0)
    return (h_n, c_n, B0n, B1n, B2n, M0n, M1n, M2n, g4n, awn)


def _tc_body(emb, gw_pad, vbf_ref, vbb_ref,
             fwWh, fwWwx, fwWwh, fwbwb, fwWlc,
             bwWh, bwWwx, bwWwh, bwbwb, bwWlc,
             fwWx, fwb, fwWlx, fwbl, bwWx, bwb, bwWlx, bwbl,
             hs_ref, xwf, xlf, xwb, xlb, gxf, gxb):
    for ci in range(8):
        r0 = ci * 64
        e = emb[r0:r0 + 64, :]
        xwf[r0:r0 + 64, :] = _dot(e, fwWx[:, :]) + fwb[:, :]
        xlf[r0:r0 + 64, :] = _dot(e, fwWlx[:, :]) + fwbl[:, :]
        xwb[r0:r0 + 64, :] = _dot(e, bwWx[:, :]) + bwb[:, :]
        xlb[r0:r0 + 64, :] = _dot(e, bwWlx[:, :]) + bwbl[:, :]
    for ci in range(5):
        r0 = ci * 256
        g = gw_pad[r0:r0 + 256, :]
        gxf[r0:r0 + 256, :] = _dotb(g, fwWwx[:, :]) + fwbwb[:, :]
        gxb[r0:r0 + 256, :] = _dotb(g, bwWwx[:, :]) + bwbwb[:, :]

    z1 = jnp.zeros((1, H), _F32)
    z6 = jnp.zeros((6, H), _F32)
    init = (z1, z1, z6, z6, z6, z6, z6, z6,
            xwf[0:1, :], jnp.broadcast_to(xlf[0:1, :], (6, H)),
            z1, z1, z6, z6, z6, z6, z6, z6,
            xwb[S - 1:S, :], jnp.broadcast_to(xlb[S - 1:S, :], (6, H)))

    def body(u, carry):
        stf = carry[:10]
        stb = carry[10:]
        blkGF = gxf[pl.ds(8 * u, 16), :]
        blkGB = gxb[pl.ds(1016 - 8 * u, 16), :]
        blkVF = vbf_ref[pl.ds(32 * u, 32), :]
        blkVB = vbb_ref[pl.ds(4064 - 32 * u, 32), :]
        for i in range(4):
            t = 4 * u + i
            p = S - 1 - t
            tn = jnp.minimum(t + 1, S - 1)
            pn = jnp.maximum(p - 1, 0)
            stf = _dir_step(tn, stf, blkGF[6 + 2 * i:8 + 2 * i],
                            blkVF[8 * i:8 * i + 6], xwf, xlf,
                            fwWh, fwWwh, fwWlc, False)
            stb = _dir_step(pn, stb, blkGB[6 - 2 * i:12 - 2 * i],
                            blkVB[24 - 8 * i:30 - 8 * i], xwb, xlb,
                            bwWh, bwWwh, bwWlc, True)
            hs_ref[pl.ds(t, 1), 0:H] = stf[0]
            hs_ref[pl.ds(p, 1), H:2 * H] = stb[0]
        return (*stf, *stb)

    lax.fori_loop(0, S // 4, body, init)


def _tc_lattice(emb, gw_pad, valfw, valbw,
                fwWh, fwWwx, fwWwh, fwbwb, fwWlc,
                bwWh, bwWwx, bwWwh, bwbwb, bwWlc,
                fwWx, fwb, fwWlx, fwbl, bwWx, bwb, bwWlx, bwbl):
    return pl.pallas_call(
        _tc_body,
        out_shape=jax.ShapeDtypeStruct((S, 2 * H), _F32),
        scratch_shapes=[
            pltpu.VMEM((S, 4 * H), _F32),
            pltpu.VMEM((S, H), _F32),
            pltpu.VMEM((S, 4 * H), _F32),
            pltpu.VMEM((S, H), _F32),
            pltpu.VMEM((1280, 3 * H), _F32),
            pltpu.VMEM((1280, 3 * H), _F32),
        ],
    )(emb, gw_pad, valfw, valbw,
      fwWh, fwWwx, fwWwh, fwbwb, fwWlc,
      bwWh, bwWwx, bwWwh, bwbwb, bwWlc,
      fwWx, fwb, fwWlx, fwbl, bwWx, bwb, bwWlx, bwbl)


def kernel(tokens, gaz_ids, gaz_lengths, token_table, gaz_table,
           fw_Wx, fw_Wh, fw_b, fw_Wwx, fw_Wwh, fw_bw, fw_Wlx, fw_Wlc, fw_bl,
           bw_Wx, bw_Wh, bw_b, bw_Wwx, bw_Wwh, bw_bw, bw_Wlx, bw_Wlc, bw_bl):
    tok_idx = tokens.reshape(S).astype(jnp.int32)
    gi = gaz_ids.astype(jnp.int32)
    gl = gaz_lengths.astype(jnp.int32)
    pos = jnp.arange(S, dtype=jnp.int32)[:, None]


    gaz_idx = gi.reshape(S * MAXG)

    vf_cols, vb_cols = [], []
    for dd in (1, 2, 3):
        gl_s = jnp.concatenate([jnp.zeros((dd, MAXG), jnp.int32), gl[:S - dd]], axis=0)
        vf_cols.append((gl == dd) & (pos + dd < S))
        vb_cols.insert(0, (pos >= dd) & (gl_s == dd))
    zpadb = jnp.zeros((S, 2), bool)
    valfw = jnp.broadcast_to(
        jnp.concatenate(vf_cols + [zpadb], axis=1).astype(_F32).reshape(S * 8, 1),
        (S * 8, H))
    valbw = jnp.broadcast_to(
        jnp.concatenate(vb_cols + [zpadb], axis=1).astype(_F32).reshape(S * 8, 1),
        (S * 8, H))

    emb, gw = _sc_gather(token_table, gaz_table, tok_idx, gaz_idx)
    gw_pad = jnp.concatenate(
        [jnp.zeros((6, D), _F32), gw, jnp.zeros((250, D), _F32)], axis=0)

    bf = jnp.bfloat16
    hs = _tc_lattice(
        emb, gw_pad, valfw, valbw,
        fw_Wh.astype(bf), fw_Wwx.astype(bf), fw_Wwh.astype(bf),
        fw_bw.reshape(1, 3 * H), fw_Wlc.astype(bf),
        bw_Wh.astype(bf), bw_Wwx.astype(bf), bw_Wwh.astype(bf),
        bw_bw.reshape(1, 3 * H), bw_Wlc.astype(bf),
        fw_Wx, fw_b.reshape(1, 4 * H), fw_Wlx, fw_bl.reshape(1, H),
        bw_Wx, bw_b.reshape(1, 4 * H), bw_Wlx, bw_bl.reshape(1, H))
    return hs[None, :, :]

# --- scband reference (transcript-rebuilt; emitter-appended) ---
"""Pipeline reference for scband-lattice-ner-22823456210979 (READ-ONLY COPY).

The authoritative reference and input builder live on the scoring server;
editing this copy changes nothing except your own understanding.
"""

import jax, jax.numpy as jnp
import numpy as np

S = 512
H = 256
D = 128
GD = 128
TOK_V = 8000
GAZ_V = 50000
MAXG = 2


def setup_inputs(seed: int = 0) -> dict:
    key = jax.random.key(seed)
    ks = jax.random.split(key, 32)
    inp = {}
    inp["tokens"] = jax.random.randint(ks[0], (1, S), 0, TOK_V)
    inp["gaz_ids"] = jax.random.randint(ks[1], (S, MAXG), 0, GAZ_V)
    inp["gaz_lengths"] = jax.random.randint(ks[2], (S, MAXG), 0, 4)
    inp["token_table"] = jax.random.normal(ks[3], (TOK_V, D), dtype=jnp.float32) * 0.02
    inp["gaz_table"] = jax.random.normal(ks[4], (GAZ_V, GD), dtype=jnp.float32) * 0.02
    i = 5
    for pre in ("fw", "bw"):
        inp[pre + "_Wx"] = jax.random.normal(ks[i], (D, 4 * H), dtype=jnp.float32) * 0.05; i += 1
        inp[pre + "_Wh"] = jax.random.normal(ks[i], (H, 4 * H), dtype=jnp.float32) * 0.05; i += 1
        inp[pre + "_b"] = jnp.zeros((4 * H,), dtype=jnp.float32)
        inp[pre + "_Wwx"] = jax.random.normal(ks[i], (GD, 3 * H), dtype=jnp.float32) * 0.05; i += 1
        inp[pre + "_Wwh"] = jax.random.normal(ks[i], (H, 3 * H), dtype=jnp.float32) * 0.05; i += 1
        inp[pre + "_bw"] = jnp.zeros((3 * H,), dtype=jnp.float32)
        inp[pre + "_Wlx"] = jax.random.normal(ks[i], (D, H), dtype=jnp.float32) * 0.05; i += 1
        inp[pre + "_Wlc"] = jax.random.normal(ks[i], (H, H), dtype=jnp.float32) * 0.05; i += 1
        inp[pre + "_bl"] = jnp.zeros((H,), dtype=jnp.float32)
    return inp


def _lattice_pass(emb, gaz_ids, gaz_lengths, gaz_table, Wx, Wh, b, Wwx, Wwh, bw, Wlx, Wlc, bl, reverse):
    # encode the ragged gaz_list: slot raw==0 means no word, else word length = raw+1
    NPEND = 3 * MAXG
    pos = jnp.arange(S)[:, None]
    wid_list = []
    val_list = []
    for dd in (1, 2, 3):
        if reverse:
            gl_s = jnp.concatenate([jnp.zeros((dd, MAXG), gaz_lengths.dtype), gaz_lengths[:S - dd]], axis=0)
            gi_s = jnp.concatenate([jnp.zeros((dd, MAXG), gaz_ids.dtype), gaz_ids[:S - dd]], axis=0)
            val_list.append((pos >= dd) & (gl_s == dd))
            wid_list.append(gi_s)
        else:
            val_list.append((gaz_lengths == dd) & (pos + dd < S))
            wid_list.append(gaz_ids)
    wid_seq = jnp.stack(wid_list, axis=1)
    val_seq = jnp.stack(val_list, axis=1)
    if reverse:
        emb_seq = emb[::-1]
        wid_seq = wid_seq[::-1]
        val_seq = val_seq[::-1]
    else:
        emb_seq = emb

    def step(carry, xs):
        h, c, B, Bm = carry
        x, wid, val = xs
        g4 = x @ Wx + h @ Wh + b
        i_g = jax.nn.sigmoid(g4[:H])
        f_g = jax.nn.sigmoid(g4[H:2 * H])
        o_g = jax.nn.sigmoid(g4[2 * H:3 * H])
        g_g = jnp.tanh(g4[3 * H:4 * H])
        curm = Bm[0]
        perm = jnp.argsort(jnp.where(curm, 0, 1), stable=True)
        cells = B[0][perm]
        count = jnp.sum(curm.astype(jnp.int32))

        def mk_branch(k):
            if k == 0:
                def br(_):
                    return f_g * c + i_g * g_g
            else:
                def br(_):
                    # multi-input cell: exp-normalize char input gate against word cell gates
                    alphas = [jax.nn.sigmoid(x @ Wlx + cells[i2] @ Wlc + bl) for i2 in range(k)]
                    allg = jnp.stack([i_g] + alphas, axis=0)
                    wgt = jnp.exp(allg)
                    wgt = wgt / jnp.sum(wgt, axis=0, keepdims=True)
                    cn = wgt[0] * g_g
                    for k2 in range(k):
                        cn = cn + wgt[k2 + 1] * cells[k2]
                    return cn
            return br

        c_new = jax.lax.switch(count, [mk_branch(k) for k in range(NPEND + 1)], None)
        h_new = o_g * jnp.tanh(c_new)
        # word cells for lexicon words whose source char is this step (gaz dropout = identity in eval)
        Bn = jnp.concatenate([B[1:], jnp.zeros((1, NPEND, H), B.dtype)], axis=0)
        Bmn = jnp.concatenate([Bm[1:], jnp.zeros((1, NPEND), dtype=bool)], axis=0)
        for dd in (1, 2, 3):
            for j in range(MAXG):
                wemb = gaz_table[wid[dd - 1, j]]
                wg = wemb @ Wwx + h_new @ Wwh + bw

                iw = jax.nn.sigmoid(wg[:H])
                fw_ = jax.nn.sigmoid(wg[H:2 * H])
                gw = jnp.tanh(wg[2 * H:3 * H])
                cw_new = fw_ * c_new + iw * gw
                row = dd - 1
                slot = 2 * (3 - dd) + j
                v = val[dd - 1, j]
                Bn = Bn.at[row, slot].set(jnp.where(v, cw_new, Bn[row, slot]))
                Bmn = Bmn.at[row, slot].set(v | Bmn[row, slot])
        return (h_new, c_new, Bn, Bmn), h_new

    init = (jnp.zeros((H,), dtype=emb.dtype), jnp.zeros((H,), dtype=emb.dtype),
            jnp.zeros((3, NPEND, H), dtype=emb.dtype), jnp.zeros((3, NPEND), dtype=bool))
    _, hs = jax.lax.scan(step, init, (emb_seq, wid_seq, val_seq))
    if reverse:
        hs = hs[::-1]
    return hs


def reference(tokens, gaz_ids, gaz_lengths, token_table, gaz_table,
              fw_Wx, fw_Wh, fw_b, fw_Wwx, fw_Wwh, fw_bw, fw_Wlx, fw_Wlc, fw_bl,
              bw_Wx, bw_Wh, bw_b, bw_Wwx, bw_Wwh, bw_bw, bw_Wlx, bw_Wlc, bw_bl):
    # token embedding lookup; both dropouts are identity in eval mode
    emb = token_table[tokens[0]]
    fwd = _lattice_pass(emb, gaz_ids, gaz_lengths, gaz_table, fw_Wx, fw_Wh, fw_b, fw_Wwx, fw_Wwh, fw_bw, fw_Wlx, fw_Wlc, fw_bl, False)
    bwd = _lattice_pass(emb, gaz_ids, gaz_lengths, gaz_table, bw_Wx, bw_Wh, bw_b, bw_Wwx, bw_Wwh, bw_bw, bw_Wlx, bw_Wlc, bw_bl, True)
    out = jnp.concatenate([fwd, bwd], axis=1)[None, :, :]
    return out

if __name__ == "__main__":
    import jax
    _d = setup_inputs()
    print(jax.jit(kernel)(*tuple(_d.values())))

</pallas_src>

<mosaic_0001>
#map = affine_map<(d0, d1) -> (0, 0)>
#map1 = affine_map<(d0, d1) -> (0)>
module attributes {stable_mosaic.version = 14 : i64} {
  func.func @gk(%arg0: i32, %arg1: i32, %arg2: memref<8000x128xf32, #tpu.memory_space<hbm>>, %arg3: memref<50000x128xf32, #tpu.memory_space<hbm>>, %arg4: memref<512xi32, #tpu.memory_space<hbm>>, %arg5: memref<1024xi32, #tpu.memory_space<hbm>>, %arg6: memref<512x128xf32, #tpu.memory_space<hbm>>, %arg7: memref<1024x128xf32, #tpu.memory_space<hbm>>, %arg8: memref<16xi32, #tpu.memory_space<vmem>>, %arg9: memref<16x128xf32, #tpu.memory_space<vmem>>, %arg10: memref<32xi32, #tpu.memory_space<vmem>>, %arg11: memref<32x128xf32, #tpu.memory_space<vmem>>, %arg12: memref<!tpu.dma_semaphore, #tpu.memory_space<semaphore_mem>>, %arg13: memref<!tpu.dma_semaphore, #tpu.memory_space<semaphore_mem>>) attributes {dimension_semantics = [#tpu.dimension_semantics<core_parallel>, #tpu.dimension_semantics<subcore_parallel>], iteration_bounds = array<i64: 2, 16>, scalar_prefetch = 0 : i64, scratch_operands = 6 : i64, tpu.core_type = #tpu.core_type<sc_vector_subcore>, window_params = [{transform_indices = #map}, {transform_indices = #map}, {transform_indices = #map1}, {transform_indices = #map1}, {transform_indices = #map}, {transform_indices = #map}]} {
    %mul3A = arith.constant 2 : i32
    %mul3A_0 = arith.muli %arg1, %mul3A : i32
    %add3A = arith.addi %mul3A_0, %arg0 : i32
    %mul3A_1 = arith.constant 16 : i32
    %mul3A_2 = arith.muli %add3A, %mul3A_1 : i32
    "tpu.region"() ({
      %run_scoped3A = tpu.sem_alloc : memref<!tpu.dma_semaphore, #tpu.memory_space<semaphore_mem>>
      %dma_start3A_19 = tpu.memref_slice %arg4[%mul3A_2] : memref<512xi32, #tpu.memory_space<hbm>> -> memref<16xi32, #tpu.memory_space<hbm>>
      %dma_start3A_20 = tpu.memref_slice %arg4[%mul3A_2] : memref<512xi32, #tpu.memory_space<hbm>> -> memref<16xi32, #tpu.memory_space<hbm>>
      tpu.enqueue_dma source(%dma_start3A_20 : memref<16xi32, #tpu.memory_space<hbm>>) target(%arg8 : memref<16xi32, #tpu.memory_space<vmem>>) target_semaphore(%run_scoped3A : memref<!tpu.dma_semaphore, #tpu.memory_space<semaphore_mem>>)
      %dma_wait3A_21 = tpu.memref_slice %arg4[%mul3A_2] : memref<512xi32, #tpu.memory_space<hbm>> -> memref<16xi32, #tpu.memory_space<hbm>>
      %dma_wait3A_22 = tpu.memref_slice %arg4[%mul3A_2] : memref<512xi32, #tpu.memory_space<hbm>> -> memref<16xi32, #tpu.memory_space<hbm>>
      tpu.wait_dma2 semaphore(%run_scoped3A : memref<!tpu.dma_semaphore, #tpu.memory_space<semaphore_mem>>) src(%dma_wait3A_22 : memref<16xi32, #tpu.memory_space<hbm>>) dst(%arg8 : memref<16xi32, #tpu.memory_space<vmem>>)
      tpu.yield
    }) : () -> ()
    %mul3A_3 = arith.constant 32 : i32
    %mul3A_4 = arith.muli %add3A, %mul3A_3 : i32
    "tpu.region"() ({
      %run_scoped3A = tpu.sem_alloc : memref<!tpu.dma_semaphore, #tpu.memory_space<semaphore_mem>>
      %dma_start3A_19 = tpu.memref_slice %arg5[%mul3A_4] : memref<1024xi32, #tpu.memory_space<hbm>> -> memref<32xi32, #tpu.memory_space<hbm>>
      %dma_start3A_20 = tpu.memref_slice %arg5[%mul3A_4] : memref<1024xi32, #tpu.memory_space<hbm>> -> memref<32xi32, #tpu.memory_space<hbm>>
      tpu.enqueue_dma source(%dma_start3A_20 : memref<32xi32, #tpu.memory_space<hbm>>) target(%arg10 : memref<32xi32, #tpu.memory_space<vmem>>) target_semaphore(%run_scoped3A : memref<!tpu.dma_semaphore, #tpu.memory_space<semaphore_mem>>)
      %dma_wait3A_21 = tpu.memref_slice %arg5[%mul3A_4] : memref<1024xi32, #tpu.memory_space<hbm>> -> memref<32xi32, #tpu.memory_space<hbm>>
      %dma_wait3A_22 = tpu.memref_slice %arg5[%mul3A_4] : memref<1024xi32, #tpu.memory_space<hbm>> -> memref<32xi32, #tpu.memory_space<hbm>>
      tpu.wait_dma2 semaphore(%run_scoped3A : memref<!tpu.dma_semaphore, #tpu.memory_space<semaphore_mem>>) src(%dma_wait3A_22 : memref<32xi32, #tpu.memory_space<hbm>>) dst(%arg10 : memref<32xi32, #tpu.memory_space<vmem>>)
      tpu.yield
    }) : () -> ()
    %dma_start3A = arith.constant 0 : i32
    %dma_start3A_5 = arith.constant 0 : i32
    %dma_start3A_6 = tpu.memref_slice %arg2[%dma_start3A, %dma_start3A_5] : memref<8000x128xf32, #tpu.memory_space<hbm>> -> memref<8000x128xf32, #tpu.memory_space<hbm>>
    tpu.enqueue_indirect_dma source(%dma_start3A_6 : memref<8000x128xf32, #tpu.memory_space<hbm>>) target(%arg9 : memref<16x128xf32, #tpu.memory_space<vmem>>) offsets(%arg8 : memref<16xi32, #tpu.memory_space<vmem>>) semaphore(%arg12 : memref<!tpu.dma_semaphore, #tpu.memory_space<semaphore_mem>>)
    %dma_start3A_7 = arith.constant 0 : i32
    %dma_start3A_8 = arith.constant 0 : i32
    %dma_start3A_9 = tpu.memref_slice %arg3[%dma_start3A_7, %dma_start3A_8] : memref<50000x128xf32, #tpu.memory_space<hbm>> -> memref<50000x128xf32, #tpu.memory_space<hbm>>
    tpu.enqueue_indirect_dma source(%dma_start3A_9 : memref<50000x128xf32, #tpu.memory_space<hbm>>) target(%arg11 : memref<32x128xf32, #tpu.memory_space<vmem>>) offsets(%arg10 : memref<32xi32, #tpu.memory_space<vmem>>) semaphore(%arg13 : memref<!tpu.dma_semaphore, #tpu.memory_space<semaphore_mem>>)
    %dma_wait3A = arith.constant 0 : i32
    %dma_wait3A_10 = arith.constant 0 : i32
    %dma_wait3A_11 = tpu.memref_slice %arg2[%dma_wait3A, %dma_wait3A_10] : memref<8000x128xf32, #tpu.memory_space<hbm>> -> memref<8000x128xf32, #tpu.memory_space<hbm>>
    tpu.wait_indirect_dma semaphore(%arg12 : memref<!tpu.dma_semaphore, #tpu.memory_space<semaphore_mem>>) src(%dma_wait3A_11 : memref<8000x128xf32, #tpu.memory_space<hbm>>) dst(%arg9 : memref<16x128xf32, #tpu.memory_space<vmem>>)
    %mul3A_12 = arith.constant 16 : i32
    %mul3A_13 = arith.muli %add3A, %mul3A_12 : i32
    "tpu.region"() ({
      %run_scoped3A = tpu.sem_alloc : memref<!tpu.dma_semaphore, #tpu.memory_space<semaphore_mem>>
      %dma_start3A_19 = arith.constant 0 : i32
      %dma_start3A_20 = tpu.memref_slice %arg6[%mul3A_13, %dma_start3A_19] : memref<512x128xf32, #tpu.memory_space<hbm>> -> memref<16x128xf32, #tpu.memory_space<hbm>>
      %dma_start3A_21 = arith.constant 0 : i32
      %dma_start3A_22 = tpu.memref_slice %arg6[%mul3A_13, %dma_start3A_21] : memref<512x128xf32, #tpu.memory_space<hbm>> -> memref<16x128xf32, #tpu.memory_space<hbm>>
      tpu.enqueue_dma source(%arg9 : memref<16x128xf32, #tpu.memory_space<vmem>>) target(%dma_start3A_22 : memref<16x128xf32, #tpu.memory_space<hbm>>) target_semaphore(%run_scoped3A : memref<!tpu.dma_semaphore, #tpu.memory_space<semaphore_mem>>)
      %dma_wait3A_23 = arith.constant 0 : i32
      %dma_wait3A_24 = tpu.memref_slice %arg6[%mul3A_13, %dma_wait3A_23] : memref<512x128xf32, #tpu.memory_space<hbm>> -> memref<16x128xf32, #tpu.memory_space<hbm>>
      %dma_wait3A_25 = arith.constant 0 : i32
      %dma_wait3A_26 = tpu.memref_slice %arg6[%mul3A_13, %dma_wait3A_25] : memref<512x128xf32, #tpu.memory_space<hbm>> -> memref<16x128xf32, #tpu.memory_space<hbm>>
      tpu.wait_dma2 semaphore(%run_scoped3A : memref<!tpu.dma_semaphore, #tpu.memory_space<semaphore_mem>>) src(%arg9 : memref<16x128xf32, #tpu.memory_space<vmem>>) dst(%dma_wait3A_26 : memref<16x128xf32, #tpu.memory_space<hbm>>)
      tpu.yield
    }) : () -> ()
    %dma_wait3A_14 = arith.constant 0 : i32
    %dma_wait3A_15 = arith.constant 0 : i32
    %dma_wait3A_16 = tpu.memref_slice %arg3[%dma_wait3A_14, %dma_wait3A_15] : memref<50000x128xf32, #tpu.memory_space<hbm>> -> memref<50000x128xf32, #tpu.memory_space<hbm>>
    tpu.wait_indirect_dma semaphore(%arg13 : memref<!tpu.dma_semaphore, #tpu.memory_space<semaphore_mem>>) src(%dma_wait3A_16 : memref<50000x128xf32, #tpu.memory_space<hbm>>) dst(%arg11 : memref<32x128xf32, #tpu.memory_space<vmem>>)
    %mul3A_17 = arith.constant 32 : i32
    %mul3A_18 = arith.muli %add3A, %mul3A_17 : i32
    "tpu.region"() ({
      %run_scoped3A = tpu.sem_alloc : memref<!tpu.dma_semaphore, #tpu.memory_space<semaphore_mem>>
      %dma_start3A_19 = arith.constant 0 : i32
      %dma_start3A_20 = tpu.memref_slice %arg7[%mul3A_18, %dma_start3A_19] : memref<1024x128xf32, #tpu.memory_space<hbm>> -> memref<32x128xf32, #tpu.memory_space<hbm>>
      %dma_start3A_21 = arith.constant 0 : i32
      %dma_start3A_22 = tpu.memref_slice %arg7[%mul3A_18, %dma_start3A_21] : memref<1024x128xf32, #tpu.memory_space<hbm>> -> memref<32x128xf32, #tpu.memory_space<hbm>>
      tpu.enqueue_dma source(%arg11 : memref<32x128xf32, #tpu.memory_space<vmem>>) target(%dma_start3A_22 : memref<32x128xf32, #tpu.memory_space<hbm>>) target_semaphore(%run_scoped3A : memref<!tpu.dma_semaphore, #tpu.memory_space<semaphore_mem>>)
      %dma_wait3A_23 = arith.constant 0 : i32
      %dma_wait3A_24 = tpu.memref_slice %arg7[%mul3A_18, %dma_wait3A_23] : memref<1024x128xf32, #tpu.memory_space<hbm>> -> memref<32x128xf32, #tpu.memory_space<hbm>>
      %dma_wait3A_25 = arith.constant 0 : i32
      %dma_wait3A_26 = tpu.memref_slice %arg7[%mul3A_18, %dma_wait3A_25] : memref<1024x128xf32, #tpu.memory_space<hbm>> -> memref<32x128xf32, #tpu.memory_space<hbm>>
      tpu.wait_dma2 semaphore(%run_scoped3A : memref<!tpu.dma_semaphore, #tpu.memory_space<semaphore_mem>>) src(%arg11 : memref<32x128xf32, #tpu.memory_space<vmem>>) dst(%dma_wait3A_26 : memref<32x128xf32, #tpu.memory_space<hbm>>)
      tpu.yield
    }) : () -> ()
    return
  }
}

module attributes {stable_mosaic.version = 14 : i64} {
  func.func @_tc_body(%arg0: memref<512x128xf32, #tpu.memory_space<vmem>>, %arg1: memref<1280x128xf32, #tpu.memory_space<vmem>>, %arg2: memref<4096x256xf32, #tpu.memory_space<vmem>>, %arg3: memref<4096x256xf32, #tpu.memory_space<vmem>>, %arg4: memref<256x1024xbf16, #tpu.memory_space<vmem>>, %arg5: memref<128x768xbf16, #tpu.memory_space<vmem>>, %arg6: memref<256x768xbf16, #tpu.memory_space<vmem>>, %arg7: memref<1x768xf32, #tpu.memory_space<vmem>>, %arg8: memref<256x256xbf16, #tpu.memory_space<vmem>>, %arg9: memref<256x1024xbf16, #tpu.memory_space<vmem>>, %arg10: memref<128x768xbf16, #tpu.memory_space<vmem>>, %arg11: memref<256x768xbf16, #tpu.memory_space<vmem>>, %arg12: memref<1x768xf32, #tpu.memory_space<vmem>>, %arg13: memref<256x256xbf16, #tpu.memory_space<vmem>>, %arg14: memref<128x1024xf32, #tpu.memory_space<vmem>>, %arg15: memref<1x1024xf32, #tpu.memory_space<vmem>>, %arg16: memref<128x256xf32, #tpu.memory_space<vmem>>, %arg17: memref<1x256xf32, #tpu.memory_space<vmem>>, %arg18: memref<128x1024xf32, #tpu.memory_space<vmem>>, %arg19: memref<1x1024xf32, #tpu.memory_space<vmem>>, %arg20: memref<128x256xf32, #tpu.memory_space<vmem>>, %arg21: memref<1x256xf32, #tpu.memory_space<vmem>>, %arg22: memref<512x512xf32, #tpu.memory_space<vmem>>, %arg23: memref<512x1024xf32, #tpu.memory_space<vmem>>, %arg24: memref<512x256xf32, #tpu.memory_space<vmem>>, %arg25: memref<512x1024xf32, #tpu.memory_space<vmem>>, %arg26: memref<512x256xf32, #tpu.memory_space<vmem>>, %arg27: memref<1280x768xf32, #tpu.memory_space<vmem>>, %arg28: memref<1280x768xf32, #tpu.memory_space<vmem>>) attributes {dimension_semantics = [], scalar_prefetch = 0 : i64, scratch_operands = 6 : i64, tpu.core_type = #tpu.core_type<tc>} {
    %get3A = arith.constant 0 : index
    %get3A_0 = arith.constant 0 : index
    %get3A_1 = vector.load %arg0[%get3A, %get3A_0] : memref<512x128xf32, #tpu.memory_space<vmem>>, vector<64x128xf32>
    %get3A_2 = arith.constant 0 : index
    %get3A_3 = arith.constant 0 : index
    %get3A_4 = vector.load %arg14[%get3A_2, %get3A_3] : memref<128x1024xf32, #tpu.memory_space<vmem>>, vector<128x1024xf32>
    %dot_general3A = arith.constant dense<0.000000e+00> : vector<64x1024xf32>
    %dot_general3A_5 = tpu.matmul %get3A_1, %get3A_4, %dot_general3A {dimension_numbers = #tpu.dot_dimension_numbers<[1], [0], [0], [1], [0, 0, 1, 1], [], []>, transpose_lhs_hint = false} : vector<64x128xf32>, vector<128x1024xf32>, vector<64x1024xf32> -> vector<64x1024xf32>
    %get3A_6 = arith.constant 0 : index
    %get3A_7 = arith.constant 0 : index
    %get3A_8 = vector.load %arg15[%get3A_6, %get3A_7] : memref<1x1024xf32, #tpu.memory_space<vmem>>, vector<1x1024xf32>
    %add3A = vector.broadcast %get3A_8 : vector<1x1024xf32> to vector<64x1024xf32>
    %add3A_9 = arith.addf %dot_general3A_5, %add3A : vector<64x1024xf32>
    %swap3A = arith.constant 0 : index
    %swap3A_10 = arith.constant 0 : index
    %swap3A_11 = vector.load %arg23[%swap3A, %swap3A_10] : memref<512x1024xf32, #tpu.memory_space<vmem>>, vector<64x1024xf32>
    tpu.vector_store %arg23[%swap3A, %swap3A_10], %add3A_9 {strides = array<i32>} : memref<512x1024xf32, #tpu.memory_space<vmem>>, vector<64x1024xf32>,
    %get3A_12 = arith.constant 0 : index
    %get3A_13 = arith.constant 0 : index
    %get3A_14 = vector.load %arg16[%get3A_12, %get3A_13] : memref<128x256xf32, #tpu.memory_space<vmem>>, vector<128x256xf32>
    %dot_general3A_15 = arith.constant dense<0.000000e+00> : vector<64x256xf32>
    %dot_general3A_16 = tpu.matmul %get3A_1, %get3A_14, %dot_general3A_15 {dimension_numbers = #tpu.dot_dimension_numbers<[1], [0], [0], [1], [0, 0, 1, 1], [], []>, transpose_lhs_hint = false} : vector<64x128xf32>, vector<128x256xf32>, vector<64x256xf32> -> vector<64x256xf32>
    %get3A_17 = arith.constant 0 : index
    %get3A_18 = arith.constant 0 : index
    %get3A_19 = vector.load %arg17[%get3A_17, %get3A_18] : memref<1x256xf32, #tpu.memory_space<vmem>>, vector<1x256xf32>
    %add3A_20 = vector.broadcast %get3A_19 : vector<1x256xf32> to vector<64x256xf32>
    %add3A_21 = arith.addf %dot_general3A_16, %add3A_20 : vector<64x256xf32>
    %swap3A_22 = arith.constant 0 : index
    %swap3A_23 = arith.constant 0 : index
    %swap3A_24 = vector.load %arg24[%swap3A_22, %swap3A_23] : memref<512x256xf32, #tpu.memory_space<vmem>>, vector<64x256xf32>
    tpu.vector_store %arg24[%swap3A_22, %swap3A_23], %add3A_21 {strides = array<i32>} : memref<512x256xf32, #tpu.memory_space<vmem>>, vector<64x256xf32>,
    %get3A_25 = arith.constant 0 : index
    %get3A_26 = arith.constant 0 : index
    %get3A_27 = vector.load %arg18[%get3A_25, %get3A_26] : memref<128x1024xf32, #tpu.memory_space<vmem>>, vector<128x1024xf32>
    %dot_general3A_28 = arith.constant dense<0.000000e+00> : vector<64x1024xf32>
    %dot_general3A_29 = tpu.matmul %get3A_1, %get3A_27, %dot_general3A_28 {dimension_numbers = #tpu.dot_dimension_numbers<[1], [0], [0], [1], [0, 0, 1, 1], [], []>, transpose_lhs_hint = false} : vector<64x128xf32>, vector<128x1024xf32>, vector<64x1024xf32> -> vector<64x1024xf32>
    %get3A_30 = arith.constant 0 : index
    %get3A_31 = arith.constant 0 : index
    %get3A_32 = vector.load %arg19[%get3A_30, %get3A_31] : memref<1x1024xf32, #tpu.memory_space<vmem>>, vector<1x1024xf32>
    %add3A_33 = vector.broadcast %get3A_32 : vector<1x1024xf32> to vector<64x1024xf32>
    %add3A_34 = arith.addf %dot_general3A_29, %add3A_33 : vector<64x1024xf32>
    %swap3A_35 = arith.constant 0 : index
    %swap3A_36 = arith.constant 0 : index
    %swap3A_37 = vector.load %arg25[%swap3A_35, %swap3A_36] : memref<512x1024xf32, #tpu.memory_space<vmem>>, vector<64x1024xf32>
    tpu.vector_store %arg25[%swap3A_35, %swap3A_36], %add3A_34 {strides = array<i32>} : memref<512x1024xf32, #tpu.memory_space<vmem>>, vector<64x1024xf32>,
    %get3A_38 = arith.constant 0 : index
    %get3A_39 = arith.constant 0 : index
    %get3A_40 = vector.load %arg20[%get3A_38, %get3A_39] : memref<128x256xf32, #tpu.memory_space<vmem>>, vector<128x256xf32>
    %dot_general3A_41 = arith.constant dense<0.000000e+00> : vector<64x256xf32>
    %dot_general3A_42 = tpu.matmul %get3A_1, %get3A_40, %dot_general3A_41 {dimension_numbers = #tpu.dot_dimension_numbers<[1], [0], [0], [1], [0, 0, 1, 1], [], []>, transpose_lhs_hint = false} : vector<64x128xf32>, vector<128x256xf32>, vector<64x256xf32> -> vector<64x256xf32>
    %get3A_43 = arith.constant 0 : index
    %get3A_44 = arith.constant 0 : index
    %get3A_45 = vector.load %arg21[%get3A_43, %get3A_44] : memref<1x256xf32, #tpu.memory_space<vmem>>, vector<1x256xf32>
    %add3A_46 = vector.broadcast %get3A_45 : vector<1x256xf32> to vector<64x256xf32>
    %add3A_47 = arith.addf %dot_general3A_42, %add3A_46 : vector<64x256xf32>
    %swap3A_48 = arith.constant 0 : index
    %swap3A_49 = arith.constant 0 : index
    %swap3A_50 = vector.load %arg26[%swap3A_48, %swap3A_49] : memref<512x256xf32, #tpu.memory_space<vmem>>, vector<64x256xf32>
    tpu.vector_store %arg26[%swap3A_48, %swap3A_49], %add3A_47 {strides = array<i32>} : memref<512x256xf32, #tpu.memory_space<vmem>>, vector<64x256xf32>,
    %get3A_51 = arith.constant 64 : index
    %get3A_52 = arith.constant 0 : index
    %get3A_53 = vector.load %arg0[%get3A_51, %get3A_52] : memref<512x128xf32, #tpu.memory_space<vmem>>, vector<64x128xf32>
    %get3A_54 = arith.constant 0 : index
    %get3A_55 = arith.constant 0 : index
    %get3A_56 = vector.load %arg14[%get3A_54, %get3A_55] : memref<128x1024xf32, #tpu.memory_space<vmem>>, vector<128x1024xf32>
    %dot_general3A_57 = arith.constant dense<0.000000e+00> : vector<64x1024xf32>
    %dot_general3A_58 = tpu.matmul %get3A_53, %get3A_56, %dot_general3A_57 {dimension_numbers = #tpu.dot_dimension_numbers<[1], [0], [0], [1], [0, 0, 1, 1], [], []>, transpose_lhs_hint = false} : vector<64x128xf32>, vector<128x1024xf32>, vector<64x1024xf32> -> vector<64x1024xf32>
    %get3A_59 = arith.constant 0 : index
    %get3A_60 = arith.constant 0 : index
    %get3A_61 = vector.load %arg15[%get3A_59, %get3A_60] : memref<1x1024xf32, #tpu.memory_space<vmem>>, vector<1x1024xf32>
    %add3A_62 = vector.broadcast %get3A_61 : vector<1x1024xf32> to vector<64x1024xf32>
    %add3A_63 = arith.addf %dot_general3A_58, %add3A_62 : vector<64x1024xf32>
    %swap3A_64 = arith.constant 64 : index
    %swap3A_65 = arith.constant 0 : index
    %swap3A_66 = vector.load %arg23[%swap3A_64, %swap3A_65] : memref<512x1024xf32, #tpu.memory_space<vmem>>, vector<64x1024xf32>
    tpu.vector_store %arg23[%swap3A_64, %swap3A_65], %add3A_63 {strides = array<i32>} : memref<512x1024xf32, #tpu.memory_space<vmem>>, vector<64x1024xf32>,
    %get3A_67 = arith.constant 0 : index
    %get3A_68 = arith.constant 0 : index
    %get3A_69 = vector.load %arg16[%get3A_67, %get3A_68] : memref<128x256xf32, #tpu.memory_space<vmem>>, vector<128x256xf32>
    %dot_general3A_70 = arith.constant dense<0.000000e+00> : vector<64x256xf32>
    %dot_general3A_71 = tpu.matmul %get3A_53, %get3A_69, %dot_general3A_70 {dimension_numbers = #tpu.dot_dimension_numbers<[1], [0], [0], [1], [0, 0, 1, 1], [], []>, transpose_lhs_hint = false} : vector<64x128xf32>, vector<128x256xf32>, vector<64x256xf32> -> vector<64x256xf32>
    %get3A_72 = arith.constant 0 : index
    %get3A_73 = arith.constant 0 : index
    %get3A_74 = vector.load %arg17[%get3A_72, %get3A_73] : memref<1x256xf32, #tpu.memory_space<vmem>>, vector<1x256xf32>
    %add3A_75 = vector.broadcast %get3A_74 : vector<1x256xf32> to vector<64x256xf32>
    %add3A_76 = arith.addf %dot_general3A_71, %add3A_75 : vector<64x256xf32>
    %swap3A_77 = arith.constant 64 : index
    %swap3A_78 = arith.constant 0 : index
    %swap3A_79 = vector.load %arg24[%swap3A_77, %swap3A_78] : memref<512x256xf32, #tpu.memory_space<vmem>>, vector<64x256xf32>
    tpu.vector_store %arg24[%swap3A_77, %swap3A_78], %add3A_76 {strides = array<i32>} : memref<512x256xf32, #tpu.memory_space<vmem>>, vector<64x256xf32>,
    %get3A_80 = arith.constant 0 : index
    %get3A_81 = arith.constant 0 : index
    %get3A_82 = vector.load %arg18[%get3A_80, %get3A_81] : memref<128x1024xf32, #tpu.memory_space<vmem>>, vector<128x1024xf32>
    %dot_general3A_83 = arith.constant dense<0.000000e+00> : vector<64x1024xf32>
    %dot_general3A_84 = tpu.matmul %get3A_53, %get3A_82, %dot_general3A_83 {dimension_numbers = #tpu.dot_dimension_numbers<[1], [0], [0], [1], [0, 0, 1, 1], [], []>, transpose_lhs_hint = false} : vector<64x128xf32>, vector<128x1024xf32>, vector<64x1024xf32> -> vector<64x1024xf32>
    %get3A_85 = arith.constant 0 : index
    %get3A_86 = arith.constant 0 : index
    %get3A_87 = vector.load %arg19[%get3A_85, %get3A_86] : memref<1x1024xf32, #tpu.memory_space<vmem>>, vector<1x1024xf32>
    %add3A_88 = vector.broadcast %get3A_87 : vector<1x1024xf32> to vector<64x1024xf32>
    %add3A_89 = arith.addf %dot_general3A_84, %add3A_88 : vector<64x1024xf32>
    %swap3A_90 = arith.constant 64 : index
    %swap3A_91 = arith.constant 0 : index
    %swap3A_92 = vector.load %arg25[%swap3A_90, %swap3A_91] : memref<512x1024xf32, #tpu.memory_space<vmem>>, vector<64x1024xf32>
    tpu.vector_store %arg25[%swap3A_90, %swap3A_91], %add3A_89 {strides = array<i32>} : memref<512x1024xf32, #tpu.memory_space<vmem>>, vector<64x1024xf32>,
    %get3A_93 = arith.constant 0 : index
    %get3A_94 = arith.constant 0 : index
    %get3A_95 = vector.load %arg20[%get3A_93, %get3A_94] : memref<128x256xf32, #tpu.memory_space<vmem>>, vector<128x256xf32>
    %dot_general3A_96 = arith.constant dense<0.000000e+00> : vector<64x256xf32>
    %dot_general3A_97 = tpu.matmul %get3A_53, %get3A_95, %dot_general3A_96 {dimension_numbers = #tpu.dot_dimension_numbers<[1], [0], [0], [1], [0, 0, 1, 1], [], []>, transpose_lhs_hint = false} : vector<64x128xf32>, vector<128x256xf32>, vector<64x256xf32> -> vector<64x256xf32>
    %get3A_98 = arith.constant 0 : index
    %get3A_99 = arith.constant 0 : index
    %get3A_100 = vector.load %arg21[%get3A_98, %get3A_99] : memref<1x256xf32, #tpu.memory_space<vmem>>, vector<1x256xf32>
    %add3A_101 = vector.broadcast %get3A_100 : vector<1x256xf32> to vector<64x256xf32>
    %add3A_102 = arith.addf %dot_general3A_97, %add3A_101 : vector<64x256xf32>
    %swap3A_103 = arith.constant 64 : index
    %swap3A_104 = arith.constant 0 : index
    %swap3A_105 = vector.load %arg26[%swap3A_103, %swap3A_104] : memref<512x256xf32, #tpu.memory_space<vmem>>, vector<64x256xf32>
    tpu.vector_store %arg26[%swap3A_103, %swap3A_104], %add3A_102 {strides = array<i32>} : memref<512x256xf32, #tpu.memory_space<vmem>>, vector<64x256xf32>,
    %get3A_106 = arith.constant 128 : index
    %get3A_107 = arith.constant 0 : index
    %get3A_108 = vector.load %arg0[%get3A_106, %get3A_107] : memref<512x128xf32, #tpu.memory_space<vmem>>, vector<64x128xf32>
    %get3A_109 = arith.constant 0 : index
    %get3A_110 = arith.constant 0 : index
    %get3A_111 = vector.load %arg14[%get3A_109, %get3A_110] : memref<128x1024xf32, #tpu.memory_space<vmem>>, vector<128x1024xf32>
    %dot_general3A_112 = arith.constant dense<0.000000e+00> : vector<64x1024xf32>
    %dot_general3A_113 = tpu.matmul %get3A_108, %get3A_111, %dot_general3A_112 {dimension_numbers = #tpu.dot_dimension_numbers<[1], [0], [0], [1], [0, 0, 1, 1], [], []>, transpose_lhs_hint = false} : vector<64x128xf32>, vector<128x1024xf32>, vector<64x1024xf32> -> vector<64x1024xf32>
    %get3A_114 = arith.constant 0 : index
    %get3A_115 = arith.constant 0 : index
    %get3A_116 = vector.load %arg15[%get3A_114, %get3A_115] : memref<1x1024xf32, #tpu.memory_space<vmem>>, vector<1x1024xf32>
    %add3A_117 = vector.broadcast %get3A_116 : vector<1x1024xf32> to vector<64x1024xf32>
    %add3A_118 = arith.addf %dot_general3A_113, %add3A_117 : vector<64x1024xf32>
    %swap3A_119 = arith.constant 128 : index
    %swap3A_120 = arith.constant 0 : index
    %swap3A_121 = vector.load %arg23[%swap3A_119, %swap3A_120] : memref<512x1024xf32, #tpu.memory_space<vmem>>, vector<64x1024xf32>
    tpu.vector_store %arg23[%swap3A_119, %swap3A_120], %add3A_118 {strides = array<i32>} : memref<512x1024xf32, #tpu.memory_space<vmem>>, vector<64x1024xf32>,
    %get3A_122 = arith.constant 0 : index
    %get3A_123 = arith.constant 0 : index
    %get3A_124 = vector.load %arg16[%get3A_122, %get3A_123] : memref<128x256xf32, #tpu.memory_space<vmem>>, vector<128x256xf32>
    %dot_general3A_125 = arith.constant dense<0.000000e+00> : vector<64x256xf32>
    %dot_general3A_126 = tpu.matmul %get3A_108, %get3A_124, %dot_general3A_125 {dimension_numbers = #tpu.dot_dimension_numbers<[1], [0], [0], [1], [0, 0, 1, 1], [], []>, transpose_lhs_hint = false} : vector<64x128xf32>, vector<128x256xf32>, vector<64x256xf32> -> vector<64x256xf32>
    %get3A_127 = arith.constant 0 : index
    %get3A_128 = arith.constant 0 : index
    %get3A_129 = vector.load %arg17[%get3A_127, %get3A_128] : memref<1x256xf32, #tpu.memory_space<vmem>>, vector<1x256xf32>
    %add3A_130 = vector.broadcast %get3A_129 : vector<1x256xf32> to vector<64x256xf32>
    %add3A_131 = arith.addf %dot_general3A_126, %add3A_130 : vector<64x256xf32>
    %swap3A_132 = arith.constant 128 : index
    %swap3A_133 = arith.constant 0 : index
    %swap3A_134 = vector.load %arg24[%swap3A_132, %swap3A_133] : memref<512x256xf32, #tpu.memory_space<vmem>>, vector<64x256xf32>
    tpu.vector_store %arg24[%swap3A_132, %swap3A_133], %add3A_131 {strides = array<i32>} : memref<512x256xf32, #tpu.memory_space<vmem>>, vector<64x256xf32>,
    %get3A_135 = arith.constant 0 : index
    %get3A_136 = arith.constant 0 : index
    %get3A_137 = vector.load %arg18[%get3A_135, %get3A_136] : memref<128x1024xf32, #tpu.memory_space<vmem>>, vector<128x1024xf32>
    %dot_general3A_138 = arith.constant dense<0.000000e+00> : vector<64x1024xf32>
    %dot_general3A_139 = tpu.matmul %get3A_108, %get3A_137, %dot_general3A_138 {dimension_numbers = #tpu.dot_dimension_numbers<[1], [0], [0], [1], [0, 0, 1, 1], [], []>, transpose_lhs_hint = false} : vector<64x128xf32>, vector<128x1024xf32>, vector<64x1024xf32> -> vector<64x1024xf32>
    %get3A_140 = arith.constant 0 : index
    %get3A_141 = arith.constant 0 : index
    %get3A_142 = vector.load %arg19[%get3A_140, %get3A_141] : memref<1x1024xf32, #tpu.memory_space<vmem>>, vector<1x1024xf32>
    %add3A_143 = vector.broadcast %get3A_142 : vector<1x1024xf32> to vector<64x1024xf32>
    %add3A_144 = arith.addf %dot_general3A_139, %add3A_143 : vector<64x1024xf32>
    %swap3A_145 = arith.constant 128 : index
    %swap3A_146 = arith.constant 0 : index
    %swap3A_147 = vector.load %arg25[%swap3A_145, %swap3A_146] : memref<512x1024xf32, #tpu.memory_space<vmem>>, vector<64x1024xf32>
    tpu.vector_store %arg25[%swap3A_145, %swap3A_146], %add3A_144 {strides = array<i32>} : memref<512x1024xf32, #tpu.memory_space<vmem>>, vector<64x1024xf32>,
    %get3A_148 = arith.constant 0 : index
    %get3A_149 = arith.constant 0 : index
    %get3A_150 = vector.load %arg20[%get3A_148, %get3A_149] : memref<128x256xf32, #tpu.memory_space<vmem>>, vector<128x256xf32>
    %dot_general3A_151 = arith.constant dense<0.000000e+00> : vector<64x256xf32>
    %dot_general3A_152 = tpu.matmul %get3A_108, %get3A_150, %dot_general3A_151 {dimension_numbers = #tpu.dot_dimension_numbers<[1], [0], [0], [1], [0, 0, 1, 1], [], []>, transpose_lhs_hint = false} : vector<64x128xf32>, vector<128x256xf32>, vector<64x256xf32> -> vector<64x256xf32>
    %get3A_153 = arith.constant 0 : index
    %get3A_154 = arith.constant 0 : index
    %get3A_155 = vector.load %arg21[%get3A_153, %get3A_154] : memref<1x256xf32, #tpu.memory_space<vmem>>, vector<1x256xf32>
    %add3A_156 = vector.broadcast %get3A_155 : vector<1x256xf32> to vector<64x256xf32>
    %add3A_157 = arith.addf %dot_general3A_152, %add3A_156 : vector<64x256xf32>
    %swap3A_158 = arith.constant 128 : index
    %swap3A_159 = arith.constant 0 : index
    %swap3A_160 = vector.load %arg26[%swap3A_158, %swap3A_159] : memref<512x256xf32, #tpu.memory_space<vmem>>, vector<64x256xf32>
    tpu.vector_store %arg26[%swap3A_158, %swap3A_159], %add3A_157 {strides = array<i32>} : memref<512x256xf32, #tpu.memory_space<vmem>>, vector<64x256xf32>,
    %get3A_161 = arith.constant 192 : index
    %get3A_162 = arith.constant 0 : index
    %get3A_163 = vector.load %arg0[%get3A_161, %get3A_162] : memref<512x128xf32, #tpu.memory_space<vmem>>, vector<64x128xf32>
    %get3A_164 = arith.constant 0 : index
    %get3A_165 = arith.constant 0 : index
    %get3A_166 = vector.load %arg14[%get3A_164, %get3A_165] : memref<128x1024xf32, #tpu.memory_space<vmem>>, vector<128x1024xf32>
    %dot_general3A_167 = arith.constant dense<0.000000e+00> : vector<64x1024xf32>
    %dot_general3A_168 = tpu.matmul %get3A_163, %get3A_166, %dot_general3A_167 {dimension_numbers = #tpu.dot_dimension_numbers<[1], [0], [0], [1], [0, 0, 1, 1], [], []>, transpose_lhs_hint = false} : vector<64x128xf32>, vector<128x1024xf32>, vector<64x1024xf32> -> vector<64x1024xf32>
    %get3A_169 = arith.constant 0 : index
    %get3A_170 = arith.constant 0 : index
    %get3A_171 = vector.load %arg15[%get3A_169, %get3A_170] : memref<1x1024xf32, #tpu.memory_space<vmem>>, vector<1x1024xf32>
    %add3A_172 = vector.broadcast %get3A_171 : vector<1x1024xf32> to vector<64x1024xf32>
    %add3A_173 = arith.addf %dot_general3A_168, %add3A_172 : vector<64x1024xf32>
    %swap3A_174 = arith.constant 192 : index
    %swap3A_175 = arith.constant 0 : index
    %swap3A_176 = vector.load %arg23[%swap3A_174, %swap3A_175] : memref<512x1024xf32, #tpu.memory_space<vmem>>, vector<64x1024xf32>
    tpu.vector_store %arg23[%swap3A_174, %swap3A_175], %add3A_173 {strides = array<i32>} : memref<512x1024xf32, #tpu.memory_space<vmem>>, vector<64x1024xf32>,
    %get3A_177 = arith.constant 0 : index
    %get3A_178 = arith.constant 0 : index
    %get3A_179 = vector.load %arg16[%get3A_177, %get3A_178] : memref<128x256xf32, #tpu.memory_space<vmem>>, vector<128x256xf32>
    %dot_general3A_180 = arith.constant dense<0.000000e+00> : vector<64x256xf32>
    %dot_general3A_181 = tpu.matmul %get3A_163, %get3A_179, %dot_general3A_180 {dimension_numbers = #tpu.dot_dimension_numbers<[1], [0], [0], [1], [0, 0, 1, 1], [], []>, transpose_lhs_hint = false} : vector<64x128xf32>, vector<128x256xf32>, vector<64x256xf32> -> vector<64x256xf32>
    %get3A_182 = arith.constant 0 : index
    %get3A_183 = arith.constant 0 : index
    %get3A_184 = vector.load %arg17[%get3A_182, %get3A_183] : memref<1x256xf32, #tpu.memory_space<vmem>>, vector<1x256xf32>
    %add3A_185 = vector.broadcast %get3A_184 : vector<1x256xf32> to vector<64x256xf32>
    %add3A_186 = arith.addf %dot_general3A_181, %add3A_185 : vector<64x256xf32>
    %swap3A_187 = arith.constant 192 : index
    %swap3A_188 = arith.constant 0 : index
    %swap3A_189 = vector.load %arg24[%swap3A_187, %swap3A_188] : memref<512x256xf32, #tpu.memory_space<vmem>>, vector<64x256xf32>
    tpu.vector_store %arg24[%swap3A_187, %swap3A_188], %add3A_186 {strides = array<i32>} : memref<512x256xf32, #tpu.memory_space<vmem>>, vector<64x256xf32>,
    %get3A_190 = arith.constant 0 : index
    %get3A_191 = arith.constant 0 : index
    %get3A_192 = vector.load %arg18[%get3A_190, %get3A_191] : memref<128x1024xf32, #tpu.memory_space<vmem>>, vector<128x1024xf32>
    %dot_general3A_193 = arith.constant dense<0.000000e+00> : vector<64x1024xf32>
    %dot_general3A_194 = tpu.matmul %get3A_163, %get3A_192, %dot_general3A_193 {dimension_numbers = #tpu.dot_dimension_numbers<[1], [0], [0], [1], [0, 0, 1, 1], [], []>, transpose_lhs_hint = false} : vector<64x128xf32>, vector<128x1024xf32>, vector<64x1024xf32> -> vector<64x1024xf32>
    %get3A_195 = arith.constant 0 : index
    %get3A_196 = arith.constant 0 : index
    %get3A_197 = vector.load %arg19[%get3A_195, %get3A_196] : memref<1x1024xf32, #tpu.memory_space<vmem>>, vector<1x1024xf32>
    %add3A_198 = vector.broadcast %get3A_197 : vector<1x1024xf32> to vector<64x1024xf32>
    %add3A_199 = arith.addf %dot_general3A_194, %add3A_198 : vector<64x1024xf32>
    %swap3A_200 = arith.constant 192 : index
    %swap3A_201 = arith.constant 0 : index
    %swap3A_202 = vector.load %arg25[%swap3A_200, %swap3A_201] : memref<512x1024xf32, #tpu.memory_space<vmem>>, vector<64x1024xf32>
    tpu.vector_store %arg25[%swap3A_200, %swap3A_201], %add3A_199 {strides = array<i32>} : memref<512x1024xf32, #tpu.memory_space<vmem>>, vector<64x1024xf32>,
    %get3A_203 = arith.constant 0 : index
    %get3A_204 = arith.constant 0 : index
    %get3A_205 = vector.load %arg20[%get3A_203, %get3A_204] : memref<128x256xf32, #tpu.memory_space<vmem>>, vector<128x256xf32>
    %dot_general3A_206 = arith.constant dense<0.000000e+00> : vector<64x256xf32>
    %dot_general3A_207 = tpu.matmul %get3A_163, %get3A_205, %dot_general3A_206 {dimension_numbers = #tpu.dot_dimension_numbers<[1], [0], [0], [1], [0, 0, 1, 1], [], []>, transpose_lhs_hint = false} : vector<64x128xf32>, vector<128x256xf32>, vector<64x256xf32> -> vector<64x256xf32>
    %get3A_208 = arith.constant 0 : index
    %get3A_209 = arith.constant 0 : index
    %get3A_210 = vector.load %arg21[%get3A_208, %get3A_209] : memref<1x256xf32, #tpu.memory_space<vmem>>, vector<1x256xf32>
    %add3A_211 = vector.broadcast %get3A_210 : vector<1x256xf32> to vector<64x256xf32>
    %add3A_212 = arith.addf %dot_general3A_207, %add3A_211 : vector<64x256xf32>
    %swap3A_213 = arith.constant 192 : index
    %swap3A_214 = arith.constant 0 : index
    %swap3A_215 = vector.load %arg26[%swap3A_213, %swap3A_214] : memref<512x256xf32, #tpu.memory_space<vmem>>, vector<64x256xf32>
    tpu.vector_store %arg26[%swap3A_213, %swap3A_214], %add3A_212 {strides = array<i32>} : memref<512x256xf32, #tpu.memory_space<vmem>>, vector<64x256xf32>,
    %get3A_216 = arith.constant 256 : index
    %get3A_217 = arith.constant 0 : index
    %get3A_218 = vector.load %arg0[%get3A_216, %get3A_217] : memref<512x128xf32, #tpu.memory_space<vmem>>, vector<64x128xf32>
    %get3A_219 = arith.constant 0 : index
    %get3A_220 = arith.constant 0 : index
    %get3A_221 = vector.load %arg14[%get3A_219, %get3A_220] : memref<128x1024xf32, #tpu.memory_space<vmem>>, vector<128x1024xf32>
    %dot_general3A_222 = arith.constant dense<0.000000e+00> : vector<64x1024xf32>
    %dot_general3A_223 = tpu.matmul %get3A_218, %get3A_221, %dot_general3A_222 {dimension_numbers = #tpu.dot_dimension_numbers<[1], [0], [0], [1], [0, 0, 1, 1], [], []>, transpose_lhs_hint = false} : vector<64x128xf32>, vector<128x1024xf32>, vector<64x1024xf32> -> vector<64x1024xf32>
    %get3A_224 = arith.constant 0 : index
    %get3A_225 = arith.constant 0 : index
    %get3A_226 = vector.load %arg15[%get3A_224, %get3A_225] : memref<1x1024xf32, #tpu.memory_space<vmem>>, vector<1x1024xf32>
    %add3A_227 = vector.broadcast %get3A_226 : vector<1x1024xf32> to vector<64x1024xf32>
    %add3A_228 = arith.addf %dot_general3A_223, %add3A_227 : vector<64x1024xf32>
    %swap3A_229 = arith.constant 256 : index
    %swap3A_230 = arith.constant 0 : index
    %swap3A_231 = vector.load %arg23[%swap3A_229, %swap3A_230] : memref<512x1024xf32, #tpu.memory_space<vmem>>, vector<64x1024xf32>
    tpu.vector_store %arg23[%swap3A_229, %swap3A_230], %add3A_228 {strides = array<i32>} : memref<512x1024xf32, #tpu.memory_space<vmem>>, vector<64x1024xf32>,
    %get3A_232 = arith.constant 0 : index
    %get3A_233 = arith.constant 0 : index
    %get3A_234 = vector.load %arg16[%get3A_232, %get3A_233] : memref<128x256xf32, #tpu.memory_space<vmem>>, vector<128x256xf32>
    %dot_general3A_235 = arith.constant dense<0.000000e+00> : vector<64x256xf32>
    %dot_general3A_236 = tpu.matmul %get3A_218, %get3A_234, %dot_general3A_235 {dimension_numbers = #tpu.dot_dimension_numbers<[1], [0], [0], [1], [0, 0, 1, 1], [], []>, transpose_lhs_hint = false} : vector<64x128xf32>, vector<128x256xf32>, vector<64x256xf32> -> vector<64x256xf32>
    %get3A_237 = arith.constant 0 : index
    %get3A_238 = arith.constant 0 : index
    %get3A_239 = vector.load %arg17[%get3A_237, %get3A_238] : memref<1x256xf32, #tpu.memory_space<vmem>>, vector<1x256xf32>
    %add3A_240 = vector.broadcast %get3A_239 : vector<1x256xf32> to vector<64x256xf32>
    %add3A_241 = arith.addf %dot_general3A_236, %add3A_240 : vector<64x256xf32>
    %swap3A_242 = arith.constant 256 : index
    %swap3A_243 = arith.constant 0 : index
    %swap3A_244 = vector.load %arg24[%swap3A_242, %swap3A_243] : memref<512x256xf32, #tpu.memory_space<vmem>>, vector<64x256xf32>
    tpu.vector_store %arg24[%swap3A_242, %swap3A_243], %add3A_241 {strides = array<i32>} : memref<512x256xf32, #tpu.memory_space<vmem>>, vector<64x256xf32>,
    %get3A_245 = arith.constant 0 : index
    %get3A_246 = arith.constant 0 : index
    %get3A_247 = vector.load %arg18[%get3A_245, %get3A_246] : memref<128x1024xf32, #tpu.memory_space<vmem>>, vector<128x1024xf32>
    %dot_general3A_248 = arith.constant dense<0.000000e+00> : vector<64x1024xf32>
    %dot_general3A_249 = tpu.matmul %get3A_218, %get3A_247, %dot_general3A_248 {dimension_numbers = #tpu.dot_dimension_numbers<[1], [0], [0], [1], [0, 0, 1, 1], [], []>, transpose_lhs_hint = false} : vector<64x128xf32>, vector<128x1024xf32>, vector<64x1024xf32> -> vector<64x1024xf32>
    %get3A_250 = arith.constant 0 : index
    %get3A_251 = arith.constant 0 : index
    %get3A_252 = vector.load %arg19[%get3A_250, %get3A_251] : memref<1x1024xf32, #tpu.memory_space<vmem>>, vector<1x1024xf32>
    %add3A_253 = vector.broadcast %get3A_252 : vector<1x1024xf32> to vector<64x1024xf32>
    %add3A_254 = arith.addf %dot_general3A_249, %add3A_253 : vector<64x1024xf32>
    %swap3A_255 = arith.constant 256 : index
    %swap3A_256 = arith.constant 0 : index
    %swap3A_257 = vector.load %arg25[%swap3A_255, %swap3A_256] : memref<512x1024xf32, #tpu.memory_space<vmem>>, vector<64x1024xf32>
    tpu.vector_store %arg25[%swap3A_255, %swap3A_256], %add3A_254 {strides = array<i32>} : memref<512x1024xf32, #tpu.memory_space<vmem>>, vector<64x1024xf32>,
    %get3A_258 = arith.constant 0 : index
    %get3A_259 = arith.constant 0 : index
    %get3A_260 = vector.load %arg20[%get3A_258, %get3A_259] : memref<128x256xf32, #tpu.memory_space<vmem>>, vector<128x256xf32>
    %dot_general3A_261 = arith.constant dense<0.000000e+00> : vector<64x256xf32>
    %dot_general3A_262 = tpu.matmul %get3A_218, %get3A_260, %dot_general3A_261 {dimension_numbers = #tpu.dot_dimension_numbers<[1], [0], [0], [1], [0, 0, 1, 1], [], []>, transpose_lhs_hint = false} : vector<64x128xf32>, vector<128x256xf32>, vector<64x256xf32> -> vector<64x256xf32>
    %get3A_263 = arith.constant 0 : index
    %get3A_264 = arith.constant 0 : index
    %get3A_265 = vector.load %arg21[%get3A_263, %get3A_264] : memref<1x256xf32, #tpu.memory_space<vmem>>, vector<1x256xf32>
    %add3A_266 = vector.broadcast %get3A_265 : vector<1x256xf32> to vector<64x256xf32>
    %add3A_267 = arith.addf %dot_general3A_262, %add3A_266 : vector<64x256xf32>
    %swap3A_268 = arith.constant 256 : index
    %swap3A_269 = arith.constant 0 : index
    %swap3A_270 = vector.load %arg26[%swap3A_268, %swap3A_269] : memref<512x256xf32, #tpu.memory_space<vmem>>, vector<64x256xf32>
    tpu.vector_store %arg26[%swap3A_268, %swap3A_269], %add3A_267 {strides = array<i32>} : memref<512x256xf32, #tpu.memory_space<vmem>>, vector<64x256xf32>,
    %get3A_271 = arith.constant 320 : index
    %get3A_272 = arith.constant 0 : index
    %get3A_273 = vector.load %arg0[%get3A_271, %get3A_272] : memref<512x128xf32, #tpu.memory_space<vmem>>, vector<64x128xf32>
    %get3A_274 = arith.constant 0 : index
    %get3A_275 = arith.constant 0 : index
    %get3A_276 = vector.load %arg14[%get3A_274, %get3A_275] : memref<128x1024xf32, #tpu.memory_space<vmem>>, vector<128x1024xf32>
    %dot_general3A_277 = arith.constant dense<0.000000e+00> : vector<64x1024xf32>
    %dot_general3A_278 = tpu.matmul %get3A_273, %get3A_276, %dot_general3A_277 {dimension_numbers = #tpu.dot_dimension_numbers<[1], [0], [0], [1], [0, 0, 1, 1], [], []>, transpose_lhs_hint = false} : vector<64x128xf32>, vector<128x1024xf32>, vector<64x1024xf32> -> vector<64x1024xf32>
    %get3A_279 = arith.constant 0 : index
    %get3A_280 = arith.constant 0 : index
    %get3A_281 = vector.load %arg15[%get3A_279, %get3A_280] : memref<1x1024xf32, #tpu.memory_space<vmem>>, vector<1x1024xf32>
    %add3A_282 = vector.broadcast %get3A_281 : vector<1x1024xf32> to vector<64x1024xf32>
    %add3A_283 = arith.addf %dot_general3A_278, %add3A_282 : vector<64x1024xf32>
    %swap3A_284 = arith.constant 320 : index
    %swap3A_285 = arith.constant 0 : index
    %swap3A_286 = vector.load %arg23[%swap3A_284, %swap3A_285] : memref<512x1024xf32, #tpu.memory_space<vmem>>, vector<64x1024xf32>
    tpu.vector_store %arg23[%swap3A_284, %swap3A_285], %add3A_283 {strides = array<i32>} : memref<512x1024xf32, #tpu.memory_space<vmem>>, vector<64x1024xf32>,
    %get3A_287 = arith.constant 0 : index
    %get3A_288 = arith.constant 0 : index
    %get3A_289 = vector.load %arg16[%get3A_287, %get3A_288] : memref<128x256xf32, #tpu.memory_space<vmem>>, vector<128x256xf32>
    %dot_general3A_290 = arith.constant dense<0.000000e+00> : vector<64x256xf32>
    %dot_general3A_291 = tpu.matmul %get3A_273, %get3A_289, %dot_general3A_290 {dimension_numbers = #tpu.dot_dimension_numbers<[1], [0], [0], [1], [0, 0, 1, 1], [], []>, transpose_lhs_hint = false} : vector<64x128xf32>, vector<128x256xf32>, vector<64x256xf32> -> vector<64x256xf32>
    %get3A_292 = arith.constant 0 : index
    %get3A_293 = arith.constant 0 : index
    %get3A_294 = vector.load %arg17[%get3A_292, %get3A_293] : memref<1x256xf32, #tpu.memory_space<vmem>>, vector<1x256xf32>
    %add3A_295 = vector.broadcast %get3A_294 : vector<1x256xf32> to vector<64x256xf32>
    %add3A_296 = arith.addf %dot_general3A_291, %add3A_295 : vector<64x256xf32>
    %swap3A_297 = arith.constant 320 : index
    %swap3A_298 = arith.constant 0 : index
    %swap3A_299 = vector.load %arg24[%swap3A_297, %swap3A_298] : memref<512x256xf32, #tpu.memory_space<vmem>>, vector<64x256xf32>
    tpu.vector_store %arg24[%swap3A_297, %swap3A_298], %add3A_296 {strides = array<i32>} : memref<512x256xf32, #tpu.memory_space<vmem>>, vector<64x256xf32>,
    %get3A_300 = arith.constant 0 : index
    %get3A_301 = arith.constant 0 : index
    %get3A_302 = vector.load %arg18[%get3A_300, %get3A_301] : memref<128x1024xf32, #tpu.memory_space<vmem>>, vector<128x1024xf32>
    %dot_general3A_303 = arith.constant dense<0.000000e+00> : vector<64x1024xf32>
    %dot_general3A_304 = tpu.matmul %get3A_273, %get3A_302, %dot_general3A_303 {dimension_numbers = #tpu.dot_dimension_numbers<[1], [0], [0], [1], [0, 0, 1, 1], [], []>, transpose_lhs_hint = false} : vector<64x128xf32>, vector<128x1024xf32>, vector<64x1024xf32> -> vector<64x1024xf32>
    %get3A_305 = arith.constant 0 : index
    %get3A_306 = arith.constant 0 : index
    %get3A_307 = vector.load %arg19[%get3A_305, %get3A_306] : memref<1x1024xf32, #tpu.memory_space<vmem>>, vector<1x1024xf32>
    %add3A_308 = vector.broadcast %get3A_307 : vector<1x1024xf32> to vector<64x1024xf32>
    %add3A_309 = arith.addf %dot_general3A_304, %add3A_308 : vector<64x1024xf32>
    %swap3A_310 = arith.constant 320 : index
    %swap3A_311 = arith.constant 0 : index
    %swap3A_312 = vector.load %arg25[%swap3A_310, %swap3A_311] : memref<512x1024xf32, #tpu.memory_space<vmem>>, vector<64x1024xf32>
    tpu.vector_store %arg25[%swap3A_310, %swap3A_311], %add3A_309 {strides = array<i32>} : memref<512x1024xf32, #tpu.memory_space<vmem>>, vector<64x1024xf32>,
    %get3A_313 = arith.constant 0 : index
    %get3A_314 = arith.constant 0 : index
    %get3A_315 = vector.load %arg20[%get3A_313, %get3A_314] : memref<128x256xf32, #tpu.memory_space<vmem>>, vector<128x256xf32>
    %dot_general3A_316 = arith.constant dense<0.000000e+00> : vector<64x256xf32>
    %dot_general3A_317 = tpu.matmul %get3A_273, %get3A_315, %dot_general3A_316 {dimension_numbers = #tpu.dot_dimension_numbers<[1], [0], [0], [1], [0, 0, 1, 1], [], []>, transpose_lhs_hint = false} : vector<64x128xf32>, vector<128x256xf32>, vector<64x256xf32> -> vector<64x256xf32>
    %get3A_318 = arith.constant 0 : index
    %get3A_319 = arith.constant 0 : index
    %get3A_320 = vector.load %arg21[%get3A_318, %get3A_319] : memref<1x256xf32, #tpu.memory_space<vmem>>, vector<1x256xf32>
    %add3A_321 = vector.broadcast %get3A_320 : vector<1x256xf32> to vector<64x256xf32>
    %add3A_322 = arith.addf %dot_general3A_317, %add3A_321 : vector<64x256xf32>
    %swap3A_323 = arith.constant 320 : index
    %swap3A_324 = arith.constant 0 : index
    %swap3A_325 = vector.load %arg26[%swap3A_323, %swap3A_324] : memref<512x256xf32, #tpu.memory_space<vmem>>, vector<64x256xf32>
    tpu.vector_store %arg26[%swap3A_323, %swap3A_324], %add3A_322 {strides = array<i32>} : memref<512x256xf32, #tpu.memory_space<vmem>>, vector<64x256xf32>,
    %get3A_326 = arith.constant 384 : index
    %get3A_327 = arith.constant 0 : index
    %get3A_328 = vector.load %arg0[%get3A_326, %get3A_327] : memref<512x128xf32, #tpu.memory_space<vmem>>, vector<64x128xf32>
    %get3A_329 = arith.constant 0 : index
    %get3A_330 = arith.constant 0 : index
    %get3A_331 = vector.load %arg14[%get3A_329, %get3A_330] : memref<128x1024xf32, #tpu.memory_space<vmem>>, vector<128x1024xf32>
    %dot_general3A_332 = arith.constant dense<0.000000e+00> : vector<64x1024xf32>
    %dot_general3A_333 = tpu.matmul %get3A_328, %get3A_331, %dot_general3A_332 {dimension_numbers = #tpu.dot_dimension_numbers<[1], [0], [0], [1], [0, 0, 1, 1], [], []>, transpose_lhs_hint = false} : vector<64x128xf32>, vector<128x1024xf32>, vector<64x1024xf32> -> vector<64x1024xf32>
    %get3A_334 = arith.constant 0 : index
    %get3A_335 = arith.constant 0 : index
    %get3A_336 = vector.load %arg15[%get3A_334, %get3A_335] : memref<1x1024xf32, #tpu.memory_space<vmem>>, vector<1x1024xf32>
    %add3A_337 = vector.broadcast %get3A_336 : vector<1x1024xf32> to vector<64x1024xf32>
    %add3A_338 = arith.addf %dot_general3A_333, %add3A_337 : vector<64x1024xf32>
    %swap3A_339 = arith.constant 384 : index
    %swap3A_340 = arith.constant 0 : index
    %swap3A_341 = vector.load %arg23[%swap3A_339, %swap3A_340] : memref<512x1024xf32, #tpu.memory_space<vmem>>, vector<64x1024xf32>
    tpu.vector_store %arg23[%swap3A_339, %swap3A_340], %add3A_338 {strides = array<i32>} : memref<512x1024xf32, #tpu.memory_space<vmem>>, vector<64x1024xf32>,
    %get3A_342 = arith.constant 0 : index
    %get3A_343 = arith.constant 0 : index
    %get3A_344 = vector.load %arg16[%get3A_342, %get3A_343] : memref<128x256xf32, #tpu.memory_space<vmem>>, vector<128x256xf32>
    %dot_general3A_345 = arith.constant dense<0.000000e+00> : vector<64x256xf32>
    %dot_general3A_346 = tpu.matmul %get3A_328, %get3A_344, %dot_general3A_345 {dimension_numbers = #tpu.dot_dimension_numbers<[1], [0], [0], [1], [0, 0, 1, 1], [], []>, transpose_lhs_hint = false} : vector<64x128xf32>, vector<128x256xf32>, vector<64x256xf32> -> vector<64x256xf32>
    %get3A_347 = arith.constant 0 : index
    %get3A_348 = arith.constant 0 : index
    %get3A_349 = vector.load %arg17[%get3A_347, %get3A_348] : memref<1x256xf32, #tpu.memory_space<vmem>>, vector<1x256xf32>
    %add3A_350 = vector.broadcast %get3A_349 : vector<1x256xf32> to vector<64x256xf32>
    %add3A_351 = arith.addf %dot_general3A_346, %add3A_350 : vector<64x256xf32>
    %swap3A_352 = arith.constant 384 : index
    %swap3A_353 = arith.constant 0 : index
    %swap3A_354 = vector.load %arg24[%swap3A_352, %swap3A_353] : memref<512x256xf32, #tpu.memory_space<vmem>>, vector<64x256xf32>
    tpu.vector_store %arg24[%swap3A_352, %swap3A_353], %add3A_351 {strides = array<i32>} : memref<512x256xf32, #tpu.memory_space<vmem>>, vector<64x256xf32>,
    %get3A_355 = arith.constant 0 : index
    %get3A_356 = arith.constant 0 : index
    %get3A_357 = vector.load %arg18[%get3A_355, %get3A_356] : memref<128x1024xf32, #tpu.memory_space<vmem>>, vector<128x1024xf32>
    %dot_general3A_358 = arith.constant dense<0.000000e+00> : vector<64x1024xf32>
    %dot_general3A_359 = tpu.matmul %get3A_328, %get3A_357, %dot_general3A_358 {dimension_numbers = #tpu.dot_dimension_numbers<[1], [0], [0], [1], [0, 0, 1, 1], [], []>, transpose_lhs_hint = false} : vector<64x128xf32>, vector<128x1024xf32>, vector<64x1024xf32> -> vector<64x1024xf32>
    %get3A_360 = arith.constant 0 : index
    %get3A_361 = arith.constant 0 : index
    %get3A_362 = vector.load %arg19[%get3A_360, %get3A_361] : memref<1x1024xf32, #tpu.memory_space<vmem>>, vector<1x1024xf32>
    %add3A_363 = vector.broadcast %get3A_362 : vector<1x1024xf32> to vector<64x1024xf32>
    %add3A_364 = arith.addf %dot_general3A_359, %add3A_363 : vector<64x1024xf32>
    %swap3A_365 = arith.constant 384 : index
    %swap3A_366 = arith.constant 0 : index
    %swap3A_367 = vector.load %arg25[%swap3A_365, %swap3A_366] : memref<512x1024xf32, #tpu.memory_space<vmem>>, vector<64x1024xf32>
    tpu.vector_store %arg25[%swap3A_365, %swap3A_366], %add3A_364 {strides = array<i32>} : memref<512x1024xf32, #tpu.memory_space<vmem>>, vector<64x1024xf32>,
    %get3A_368 = arith.constant 0 : index
    %get3A_369 = arith.constant 0 : index
    %get3A_370 = vector.load %arg20[%get3A_368, %get3A_369] : memref<128x256xf32, #tpu.memory_space<vmem>>, vector<128x256xf32>
    %dot_general3A_371 = arith.constant dense<0.000000e+00> : vector<64x256xf32>
    %dot_general3A_372 = tpu.matmul %get3A_328, %get3A_370, %dot_general3A_371 {dimension_numbers = #tpu.dot_dimension_numbers<[1], [0], [0], [1], [0, 0, 1, 1], [], []>, transpose_lhs_hint = false} : vector<64x128xf32>, vector<128x256xf32>, vector<64x256xf32> -> vector<64x256xf32>
    %get3A_373 = arith.constant 0 : index
    %get3A_374 = arith.constant 0 : index
    %get3A_375 = vector.load %arg21[%get3A_373, %get3A_374] : memref<1x256xf32, #tpu.memory_space<vmem>>, vector<1x256xf32>
    %add3A_376 = vector.broadcast %get3A_375 : vector<1x256xf32> to vector<64x256xf32>
    %add3A_377 = arith.addf %dot_general3A_372, %add3A_376 : vector<64x256xf32>
    %swap3A_378 = arith.constant 384 : index
    %swap3A_379 = arith.constant 0 : index
    %swap3A_380 = vector.load %arg26[%swap3A_378, %swap3A_379] : memref<512x256xf32, #tpu.memory_space<vmem>>, vector<64x256xf32>
    tpu.vector_store %arg26[%swap3A_378, %swap3A_379], %add3A_377 {strides = array<i32>} : memref<512x256xf32, #tpu.memory_space<vmem>>, vector<64x256xf32>,
    %get3A_381 = arith.constant 448 : index
    %get3A_382 = arith.constant 0 : index
    %get3A_383 = vector.load %arg0[%get3A_381, %get3A_382] : memref<512x128xf32, #tpu.memory_space<vmem>>, vector<64x128xf32>
    %get3A_384 = arith.constant 0 : index
    %get3A_385 = arith.constant 0 : index
    %get3A_386 = vector.load %arg14[%get3A_384, %get3A_385] : memref<128x1024xf32, #tpu.memory_space<vmem>>, vector<128x1024xf32>
    %dot_general3A_387 = arith.constant dense<0.000000e+00> : vector<64x1024xf32>
    %dot_general3A_388 = tpu.matmul %get3A_383, %get3A_386, %dot_general3A_387 {dimension_numbers = #tpu.dot_dimension_numbers<[1], [0], [0], [1], [0, 0, 1, 1], [], []>, transpose_lhs_hint = false} : vector<64x128xf32>, vector<128x1024xf32>, vector<64x1024xf32> -> vector<64x1024xf32>
    %get3A_389 = arith.constant 0 : index
    %get3A_390 = arith.constant 0 : index
    %get3A_391 = vector.load %arg15[%get3A_389, %get3A_390] : memref<1x1024xf32, #tpu.memory_space<vmem>>, vector<1x1024xf32>
    %add3A_392 = vector.broadcast %get3A_391 : vector<1x1024xf32> to vector<64x1024xf32>
    %add3A_393 = arith.addf %dot_general3A_388, %add3A_392 : vector<64x1024xf32>
    %swap3A_394 = arith.constant 448 : index
    %swap3A_395 = arith.constant 0 : index
    %swap3A_396 = vector.load %arg23[%swap3A_394, %swap3A_395] : memref<512x1024xf32, #tpu.memory_space<vmem>>, vector<64x1024xf32>
    tpu.vector_store %arg23[%swap3A_394, %swap3A_395], %add3A_393 {strides = array<i32>} : memref<512x1024xf32, #tpu.memory_space<vmem>>, vector<64x1024xf32>,
    %get3A_397 = arith.constant 0 : index
    %get3A_398 = arith.constant 0 : index
    %get3A_399 = vector.load %arg16[%get3A_397, %get3A_398] : memref<128x256xf32, #tpu.memory_space<vmem>>, vector<128x256xf32>
    %dot_general3A_400 = arith.constant dense<0.000000e+00> : vector<64x256xf32>
    %dot_general3A_401 = tpu.matmul %get3A_383, %get3A_399, %dot_general3A_400 {dimension_numbers = #tpu.dot_dimension_numbers<[1], [0], [0], [1], [0, 0, 1, 1], [], []>, transpose_lhs_hint = false} : vector<64x128xf32>, vector<128x256xf32>, vector<64x256xf32> -> vector<64x256xf32>
    %get3A_402 = arith.constant 0 : index
    %get3A_403 = arith.constant 0 : index
    %get3A_404 = vector.load %arg17[%get3A_402, %get3A_403] : memref<1x256xf32, #tpu.memory_space<vmem>>, vector<1x256xf32>
    %add3A_405 = vector.broadcast %get3A_404 : vector<1x256xf32> to vector<64x256xf32>
    %add3A_406 = arith.addf %dot_general3A_401, %add3A_405 : vector<64x256xf32>
    %swap3A_407 = arith.constant 448 : index
    %swap3A_408 = arith.constant 0 : index
    %swap3A_409 = vector.load %arg24[%swap3A_407, %swap3A_408] : memref<512x256xf32, #tpu.memory_space<vmem>>, vector<64x256xf32>
    tpu.vector_store %arg24[%swap3A_407, %swap3A_408], %add3A_406 {strides = array<i32>} : memref<512x256xf32, #tpu.memory_space<vmem>>, vector<64x256xf32>,
    %get3A_410 = arith.constant 0 : index
    %get3A_411 = arith.constant 0 : index
    %get3A_412 = vector.load %arg18[%get3A_410, %get3A_411] : memref<128x1024xf32, #tpu.memory_space<vmem>>, vector<128x1024xf32>
    %dot_general3A_413 = arith.constant dense<0.000000e+00> : vector<64x1024xf32>
    %dot_general3A_414 = tpu.matmul %get3A_383, %get3A_412, %dot_general3A_413 {dimension_numbers = #tpu.dot_dimension_numbers<[1], [0], [0], [1], [0, 0, 1, 1], [], []>, transpose_lhs_hint = false} : vector<64x128xf32>, vector<128x1024xf32>, vector<64x1024xf32> -> vector<64x1024xf32>
    %get3A_415 = arith.constant 0 : index
    %get3A_416 = arith.constant 0 : index
    %get3A_417 = vector.load %arg19[%get3A_415, %get3A_416] : memref<1x1024xf32, #tpu.memory_space<vmem>>, vector<1x1024xf32>
    %add3A_418 = vector.broadcast %get3A_417 : vector<1x1024xf32> to vector<64x1024xf32>
    %add3A_419 = arith.addf %dot_general3A_414, %add3A_418 : vector<64x1024xf32>
    %swap3A_420 = arith.constant 448 : index
    %swap3A_421 = arith.constant 0 : index
    %swap3A_422 = vector.load %arg25[%swap3A_420, %swap3A_421] : memref<512x1024xf32, #tpu.memory_space<vmem>>, vector<64x1024xf32>
    tpu.vector_store %arg25[%swap3A_420, %swap3A_421], %add3A_419 {strides = array<i32>} : memref<512x1024xf32, #tpu.memory_space<vmem>>, vector<64x1024xf32>,
    %get3A_423 = arith.constant 0 : index
    %get3A_424 = arith.constant 0 : index
    %get3A_425 = vector.load %arg20[%get3A_423, %get3A_424] : memref<128x256xf32, #tpu.memory_space<vmem>>, vector<128x256xf32>
    %dot_general3A_426 = arith.constant dense<0.000000e+00> : vector<64x256xf32>
    %dot_general3A_427 = tpu.matmul %get3A_383, %get3A_425, %dot_general3A_426 {dimension_numbers = #tpu.dot_dimension_numbers<[1], [0], [0], [1], [0, 0, 1, 1], [], []>, transpose_lhs_hint = false} : vector<64x128xf32>, vector<128x256xf32>, vector<64x256xf32> -> vector<64x256xf32>
    %get3A_428 = arith.constant 0 : index
    %get3A_429 = arith.constant 0 : index
    %get3A_430 = vector.load %arg21[%get3A_428, %get3A_429] : memref<1x256xf32, #tpu.memory_space<vmem>>, vector<1x256xf32>
    %add3A_431 = vector.broadcast %get3A_430 : vector<1x256xf32> to vector<64x256xf32>
    %add3A_432 = arith.addf %dot_general3A_427, %add3A_431 : vector<64x256xf32>
    %swap3A_433 = arith.constant 448 : index
    %swap3A_434 = arith.constant 0 : index
    %swap3A_435 = vector.load %arg26[%swap3A_433, %swap3A_434] : memref<512x256xf32, #tpu.memory_space<vmem>>, vector<64x256xf32>
    tpu.vector_store %arg26[%swap3A_433, %swap3A_434], %add3A_432 {strides = array<i32>} : memref<512x256xf32, #tpu.memory_space<vmem>>, vector<64x256xf32>,
    %get3A_436 = arith.constant 0 : index
    %get3A_437 = arith.constant 0 : index
    %get3A_438 = vector.load %arg1[%get3A_436, %get3A_437] : memref<1280x128xf32, #tpu.memory_space<vmem>>, vector<256x128xf32>
    %get3A_439 = arith.constant 0 : index
    %get3A_440 = arith.constant 0 : index
    %get3A_441 = vector.load %arg5[%get3A_439, %get3A_440] : memref<128x768xbf16, #tpu.memory_space<vmem>>, vector<128x768xbf16>
    %convert_element_type3A = arith.truncf %get3A_438 : vector<256x128xf32> to vector<256x128xbf16>
    %dot_general3A_442 = arith.constant dense<0.000000e+00> : vector<256x768xf32>
    %dot_general3A_443 = tpu.matmul %convert_element_type3A, %get3A_441, %dot_general3A_442 {dimension_numbers = #tpu.dot_dimension_numbers<[1], [0], [0], [1], [0, 0, 1, 1], [], []>, transpose_lhs_hint = false} : vector<256x128xbf16>, vector<128x768xbf16>, vector<256x768xf32> -> vector<256x768xf32>
    %get3A_444 = arith.constant 0 : index
    %get3A_445 = arith.constant 0 : index
    %get3A_446 = vector.load %arg7[%get3A_444, %get3A_445] : memref<1x768xf32, #tpu.memory_space<vmem>>, vector<1x768xf32>
    %add3A_447 = vector.broadcast %get3A_446 : vector<1x768xf32> to vector<256x768xf32>
    %add3A_448 = arith.addf %dot_general3A_443, %add3A_447 : vector<256x768xf32>
    %swap3A_449 = arith.constant 0 : index
    %swap3A_450 = arith.constant 0 : index
    %swap3A_451 = vector.load %arg27[%swap3A_449, %swap3A_450] : memref<1280x768xf32, #tpu.memory_space<vmem>>, vector<256x768xf32>
    tpu.vector_store %arg27[%swap3A_449, %swap3A_450], %add3A_448 {strides = array<i32>} : memref<1280x768xf32, #tpu.memory_space<vmem>>, vector<256x768xf32>,
    %get3A_452 = arith.constant 0 : index
    %get3A_453 = arith.constant 0 : index
    %get3A_454 = vector.load %arg10[%get3A_452, %get3A_453] : memref<128x768xbf16, #tpu.memory_space<vmem>>, vector<128x768xbf16>
    %convert_element_type3A_455 = arith.truncf %get3A_438 : vector<256x128xf32> to vector<256x128xbf16>
    %dot_general3A_456 = arith.constant dense<0.000000e+00> : vector<256x768xf32>
    %dot_general3A_457 = tpu.matmul %convert_element_type3A_455, %get3A_454, %dot_general3A_456 {dimension_numbers = #tpu.dot_dimension_numbers<[1], [0], [0], [1], [0, 0, 1, 1], [], []>, transpose_lhs_hint = false} : vector<256x128xbf16>, vector<128x768xbf16>, vector<256x768xf32> -> vector<256x768xf32>
    %get3A_458 = arith.constant 0 : index
    %get3A_459 = arith.constant 0 : index
    %get3A_460 = vector.load %arg12[%get3A_458, %get3A_459] : memref<1x768xf32, #tpu.memory_space<vmem>>, vector<1x768xf32>
    %add3A_461 = vector.broadcast %get3A_460 : vector<1x768xf32> to vector<256x768xf32>
    %add3A_462 = arith.addf %dot_general3A_457, %add3A_461 : vector<256x768xf32>
    %swap3A_463 = arith.constant 0 : index
    %swap3A_464 = arith.constant 0 : index
    %swap3A_465 = vector.load %arg28[%swap3A_463, %swap3A_464] : memref<1280x768xf32, #tpu.memory_space<vmem>>, vector<256x768xf32>
    tpu.vector_store %arg28[%swap3A_463, %swap3A_464], %add3A_462 {strides = array<i32>} : memref<1280x768xf32, #tpu.memory_space<vmem>>, vector<256x768xf32>,
    %get3A_466 = arith.constant 256 : index
    %get3A_467 = arith.constant 0 : index
    %get3A_468 = vector.load %arg1[%get3A_466, %get3A_467] : memref<1280x128xf32, #tpu.memory_space<vmem>>, vector<256x128xf32>
    %get3A_469 = arith.constant 0 : index
    %get3A_470 = arith.constant 0 : index
    %get3A_471 = vector.load %arg5[%get3A_469, %get3A_470] : memref<128x768xbf16, #tpu.memory_space<vmem>>, vector<128x768xbf16>
    %convert_element_type3A_472 = arith.truncf %get3A_468 : vector<256x128xf32> to vector<256x128xbf16>
    %dot_general3A_473 = arith.constant dense<0.000000e+00> : vector<256x768xf32>
    %dot_general3A_474 = tpu.matmul %convert_element_type3A_472, %get3A_471, %dot_general3A_473 {dimension_numbers = #tpu.dot_dimension_numbers<[1], [0], [0], [1], [0, 0, 1, 1], [], []>, transpose_lhs_hint = false} : vector<256x128xbf16>, vector<128x768xbf16>, vector<256x768xf32> -> vector<256x768xf32>
    %get3A_475 = arith.constant 0 : index
    %get3A_476 = arith.constant 0 : index
    %get3A_477 = vector.load %arg7[%get3A_475, %get3A_476] : memref<1x768xf32, #tpu.memory_space<vmem>>, vector<1x768xf32>
    %add3A_478 = vector.broadcast %get3A_477 : vector<1x768xf32> to vector<256x768xf32>
    %add3A_479 = arith.addf %dot_general3A_474, %add3A_478 : vector<256x768xf32>
    %swap3A_480 = arith.constant 256 : index
    %swap3A_481 = arith.constant 0 : index
    %swap3A_482 = vector.load %arg27[%swap3A_480, %swap3A_481] : memref<1280x768xf32, #tpu.memory_space<vmem>>, vector<256x768xf32>
    tpu.vector_store %arg27[%swap3A_480, %swap3A_481], %add3A_479 {strides = array<i32>} : memref<1280x768xf32, #tpu.memory_space<vmem>>, vector<256x768xf32>,
    %get3A_483 = arith.constant 0 : index
    %get3A_484 = arith.constant 0 : index
    %get3A_485 = vector.load %arg10[%get3A_483, %get3A_484] : memref<128x768xbf16, #tpu.memory_space<vmem>>, vector<128x768xbf16>
    %convert_element_type3A_486 = arith.truncf %get3A_468 : vector<256x128xf32> to vector<256x128xbf16>
    %dot_general3A_487 = arith.constant dense<0.000000e+00> : vector<256x768xf32>
    %dot_general3A_488 = tpu.matmul %convert_element_type3A_486, %get3A_485, %dot_general3A_487 {dimension_numbers = #tpu.dot_dimension_numbers<[1], [0], [0], [1], [0, 0, 1, 1], [], []>, transpose_lhs_hint = false} : vector<256x128xbf16>, vector<128x768xbf16>, vector<256x768xf32> -> vector<256x768xf32>
    %get3A_489 = arith.constant 0 : index
    %get3A_490 = arith.constant 0 : index
    %get3A_491 = vector.load %arg12[%get3A_489, %get3A_490] : memref<1x768xf32, #tpu.memory_space<vmem>>, vector<1x768xf32>
    %add3A_492 = vector.broadcast %get3A_491 : vector<1x768xf32> to vector<256x768xf32>
    %add3A_493 = arith.addf %dot_general3A_488, %add3A_492 : vector<256x768xf32>
    %swap3A_494 = arith.constant 256 : index
    %swap3A_495 = arith.constant 0 : index
    %swap3A_496 = vector.load %arg28[%swap3A_494, %swap3A_495] : memref<1280x768xf32, #tpu.memory_space<vmem>>, vector<256x768xf32>
    tpu.vector_store %arg28[%swap3A_494, %swap3A_495], %add3A_493 {strides = array<i32>} : memref<1280x768xf32, #tpu.memory_space<vmem>>, vector<256x768xf32>,
    %get3A_497 = arith.constant 512 : index
    %get3A_498 = arith.constant 0 : index
    %get3A_499 = vector.load %arg1[%get3A_497, %get3A_498] : memref<1280x128xf32, #tpu.memory_space<vmem>>, vector<256x128xf32>
    %get3A_500 = arith.constant 0 : index
    %get3A_501 = arith.constant 0 : index
    %get3A_502 = vector.load %arg5[%get3A_500, %get3A_501] : memref<128x768xbf16, #tpu.memory_space<vmem>>, vector<128x768xbf16>
    %convert_element_type3A_503 = arith.truncf %get3A_499 : vector<256x128xf32> to vector<256x128xbf16>
    %dot_general3A_504 = arith.constant dense<0.000000e+00> : vector<256x768xf32>
    %dot_general3A_505 = tpu.matmul %convert_element_type3A_503, %get3A_502, %dot_general3A_504 {dimension_numbers = #tpu.dot_dimension_numbers<[1], [0], [0], [1], [0, 0, 1, 1], [], []>, transpose_lhs_hint = false} : vector<256x128xbf16>, vector<128x768xbf16>, vector<256x768xf32> -> vector<256x768xf32>
    %get3A_506 = arith.constant 0 : index
    %get3A_507 = arith.constant 0 : index
    %get3A_508 = vector.load %arg7[%get3A_506, %get3A_507] : memref<1x768xf32, #tpu.memory_space<vmem>>, vector<1x768xf32>
    %add3A_509 = vector.broadcast %get3A_508 : vector<1x768xf32> to vector<256x768xf32>
    %add3A_510 = arith.addf %dot_general3A_505, %add3A_509 : vector<256x768xf32>
    %swap3A_511 = arith.constant 512 : index
    %swap3A_512 = arith.constant 0 : index
    %swap3A_513 = vector.load %arg27[%swap3A_511, %swap3A_512] : memref<1280x768xf32, #tpu.memory_space<vmem>>, vector<256x768xf32>
    tpu.vector_store %arg27[%swap3A_511, %swap3A_512], %add3A_510 {strides = array<i32>} : memref<1280x768xf32, #tpu.memory_space<vmem>>, vector<256x768xf32>,
    %get3A_514 = arith.constant 0 : index
    %get3A_515 = arith.constant 0 : index
    %get3A_516 = vector.load %arg10[%get3A_514, %get3A_515] : memref<128x768xbf16, #tpu.memory_space<vmem>>, vector<128x768xbf16>
    %convert_element_type3A_517 = arith.truncf %get3A_499 : vector<256x128xf32> to vector<256x128xbf16>
    %dot_general3A_518 = arith.constant dense<0.000000e+00> : vector<256x768xf32>
    %dot_general3A_519 = tpu.matmul %convert_element_type3A_517, %get3A_516, %dot_general3A_518 {dimension_numbers = #tpu.dot_dimension_numbers<[1], [0], [0], [1], [0, 0, 1, 1], [], []>, transpose_lhs_hint = false} : vector<256x128xbf16>, vector<128x768xbf16>, vector<256x768xf32> -> vector<256x768xf32>
    %get3A_520 = arith.constant 0 : index
    %get3A_521 = arith.constant 0 : index
    %get3A_522 = vector.load %arg12[%get3A_520, %get3A_521] : memref<1x768xf32, #tpu.memory_space<vmem>>, vector<1x768xf32>
    %add3A_523 = vector.broadcast %get3A_522 : vector<1x768xf32> to vector<256x768xf32>
    %add3A_524 = arith.addf %dot_general3A_519, %add3A_523 : vector<256x768xf32>
    %swap3A_525 = arith.constant 512 : index
    %swap3A_526 = arith.constant 0 : index
    %swap3A_527 = vector.load %arg28[%swap3A_525, %swap3A_526] : memref<1280x768xf32, #tpu.memory_space<vmem>>, vector<256x768xf32>
    tpu.vector_store %arg28[%swap3A_525, %swap3A_526], %add3A_524 {strides = array<i32>} : memref<1280x768xf32, #tpu.memory_space<vmem>>, vector<256x768xf32>,
    %get3A_528 = arith.constant 768 : index
    %get3A_529 = arith.constant 0 : index
    %get3A_530 = vector.load %arg1[%get3A_528, %get3A_529] : memref<1280x128xf32, #tpu.memory_space<vmem>>, vector<256x128xf32>
    %get3A_531 = arith.constant 0 : index
    %get3A_532 = arith.constant 0 : index
    %get3A_533 = vector.load %arg5[%get3A_531, %get3A_532] : memref<128x768xbf16, #tpu.memory_space<vmem>>, vector<128x768xbf16>
    %convert_element_type3A_534 = arith.truncf %get3A_530 : vector<256x128xf32> to vector<256x128xbf16>
    %dot_general3A_535 = arith.constant dense<0.000000e+00> : vector<256x768xf32>
    %dot_general3A_536 = tpu.matmul %convert_element_type3A_534, %get3A_533, %dot_general3A_535 {dimension_numbers = #tpu.dot_dimension_numbers<[1], [0], [0], [1], [0, 0, 1, 1], [], []>, transpose_lhs_hint = false} : vector<256x128xbf16>, vector<128x768xbf16>, vector<256x768xf32> -> vector<256x768xf32>
    %get3A_537 = arith.constant 0 : index
    %get3A_538 = arith.constant 0 : index
    %get3A_539 = vector.load %arg7[%get3A_537, %get3A_538] : memref<1x768xf32, #tpu.memory_space<vmem>>, vector<1x768xf32>
    %add3A_540 = vector.broadcast %get3A_539 : vector<1x768xf32> to vector<256x768xf32>
    %add3A_541 = arith.addf %dot_general3A_536, %add3A_540 : vector<256x768xf32>
    %swap3A_542 = arith.constant 768 : index
    %swap3A_543 = arith.constant 0 : index
    %swap3A_544 = vector.load %arg27[%swap3A_542, %swap3A_543] : memref<1280x768xf32, #tpu.memory_space<vmem>>, vector<256x768xf32>
    tpu.vector_store %arg27[%swap3A_542, %swap3A_543], %add3A_541 {strides = array<i32>} : memref<1280x768xf32, #tpu.memory_space<vmem>>, vector<256x768xf32>,
    %get3A_545 = arith.constant 0 : index
    %get3A_546 = arith.constant 0 : index
    %get3A_547 = vector.load %arg10[%get3A_545, %get3A_546] : memref<128x768xbf16, #tpu.memory_space<vmem>>, vector<128x768xbf16>
    %convert_element_type3A_548 = arith.truncf %get3A_530 : vector<256x128xf32> to vector<256x128xbf16>
    %dot_general3A_549 = arith.constant dense<0.000000e+00> : vector<256x768xf32>
    %dot_general3A_550 = tpu.matmul %convert_element_type3A_548, %get3A_547, %dot_general3A_549 {dimension_numbers = #tpu.dot_dimension_numbers<[1], [0], [0], [1], [0, 0, 1, 1], [], []>, transpose_lhs_hint = false} : vector<256x128xbf16>, vector<128x768xbf16>, vector<256x768xf32> -> vector<256x768xf32>
    %get3A_551 = arith.constant 0 : index
    %get3A_552 = arith.constant 0 : index
    %get3A_553 = vector.load %arg12[%get3A_551, %get3A_552] : memref<1x768xf32, #tpu.memory_space<vmem>>, vector<1x768xf32>
    %add3A_554 = vector.broadcast %get3A_553 : vector<1x768xf32> to vector<256x768xf32>
    %add3A_555 = arith.addf %dot_general3A_550, %add3A_554 : vector<256x768xf32>
    %swap3A_556 = arith.constant 768 : index
    %swap3A_557 = arith.constant 0 : index
    %swap3A_558 = vector.load %arg28[%swap3A_556, %swap3A_557] : memref<1280x768xf32, #tpu.memory_space<vmem>>, vector<256x768xf32>
    tpu.vector_store %arg28[%swap3A_556, %swap3A_557], %add3A_555 {strides = array<i32>} : memref<1280x768xf32, #tpu.memory_space<vmem>>, vector<256x768xf32>,
    %get3A_559 = arith.constant 1024 : index
    %get3A_560 = arith.constant 0 : index
    %get3A_561 = vector.load %arg1[%get3A_559, %get3A_560] : memref<1280x128xf32, #tpu.memory_space<vmem>>, vector<256x128xf32>
    %get3A_562 = arith.constant 0 : index
    %get3A_563 = arith.constant 0 : index
    %get3A_564 = vector.load %arg5[%get3A_562, %get3A_563] : memref<128x768xbf16, #tpu.memory_space<vmem>>, vector<128x768xbf16>
    %convert_element_type3A_565 = arith.truncf %get3A_561 : vector<256x128xf32> to vector<256x128xbf16>
    %dot_general3A_566 = arith.constant dense<0.000000e+00> : vector<256x768xf32>
    %dot_general3A_567 = tpu.matmul %convert_element_type3A_565, %get3A_564, %dot_general3A_566 {dimension_numbers = #tpu.dot_dimension_numbers<[1], [0], [0], [1], [0, 0, 1, 1], [], []>, transpose_lhs_hint = false} : vector<256x128xbf16>, vector<128x768xbf16>, vector<256x768xf32> -> vector<256x768xf32>
    %get3A_568 = arith.constant 0 : index
    %get3A_569 = arith.constant 0 : index
    %get3A_570 = vector.load %arg7[%get3A_568, %get3A_569] : memref<1x768xf32, #tpu.memory_space<vmem>>, vector<1x768xf32>
    %add3A_571 = vector.broadcast %get3A_570 : vector<1x768xf32> to vector<256x768xf32>
    %add3A_572 = arith.addf %dot_general3A_567, %add3A_571 : vector<256x768xf32>
    %swap3A_573 = arith.constant 1024 : index
    %swap3A_574 = arith.constant 0 : index
    %swap3A_575 = vector.load %arg27[%swap3A_573, %swap3A_574] : memref<1280x768xf32, #tpu.memory_space<vmem>>, vector<256x768xf32>
    tpu.vector_store %arg27[%swap3A_573, %swap3A_574], %add3A_572 {strides = array<i32>} : memref<1280x768xf32, #tpu.memory_space<vmem>>, vector<256x768xf32>,
    %get3A_576 = arith.constant 0 : index
    %get3A_577 = arith.constant 0 : index
    %get3A_578 = vector.load %arg10[%get3A_576, %get3A_577] : memref<128x768xbf16, #tpu.memory_space<vmem>>, vector<128x768xbf16>
    %convert_element_type3A_579 = arith.truncf %get3A_561 : vector<256x128xf32> to vector<256x128xbf16>
    %dot_general3A_580 = arith.constant dense<0.000000e+00> : vector<256x768xf32>
    %dot_general3A_581 = tpu.matmul %convert_element_type3A_579, %get3A_578, %dot_general3A_580 {dimension_numbers = #tpu.dot_dimension_numbers<[1], [0], [0], [1], [0, 0, 1, 1], [], []>, transpose_lhs_hint = false} : vector<256x128xbf16>, vector<128x768xbf16>, vector<256x768xf32> -> vector<256x768xf32>
    %get3A_582 = arith.constant 0 : index
    %get3A_583 = arith.constant 0 : index
    %get3A_584 = vector.load %arg12[%get3A_582, %get3A_583] : memref<1x768xf32, #tpu.memory_space<vmem>>, vector<1x768xf32>
    %add3A_585 = vector.broadcast %get3A_584 : vector<1x768xf32> to vector<256x768xf32>
    %add3A_586 = arith.addf %dot_general3A_581, %add3A_585 : vector<256x768xf32>
    %swap3A_587 = arith.constant 1024 : index
    %swap3A_588 = arith.constant 0 : index
    %swap3A_589 = vector.load %arg28[%swap3A_587, %swap3A_588] : memref<1280x768xf32, #tpu.memory_space<vmem>>, vector<256x768xf32>
    tpu.vector_store %arg28[%swap3A_587, %swap3A_588], %add3A_586 {strides = array<i32>} : memref<1280x768xf32, #tpu.memory_space<vmem>>, vector<256x768xf32>,
    %broadcast_in_dim3A = arith.constant 0.000000e+00 : f32
    %broadcast_in_dim3A_590 = vector.broadcast %broadcast_in_dim3A : f32 to vector<1x256xf32>
    %broadcast_in_dim3A_591 = arith.constant 0.000000e+00 : f32
    %broadcast_in_dim3A_592 = vector.broadcast %broadcast_in_dim3A_591 : f32 to vector<6x256xf32>
    %get3A_593 = arith.constant 0 : index
    %get3A_594 = arith.constant 0 : index
    %get3A_595 = vector.load %arg23[%get3A_593, %get3A_594] : memref<512x1024xf32, #tpu.memory_space<vmem>>, vector<1x1024xf32>
    %get3A_596 = arith.constant 0 : index
    %get3A_597 = arith.constant 0 : index
    %get3A_598 = vector.load %arg24[%get3A_596, %get3A_597] : memref<512x256xf32, #tpu.memory_space<vmem>>, vector<1x256xf32>
    %broadcast_in_dim3A_599 = vector.shape_cast %get3A_598 : vector<1x256xf32> to vector<1x256xf32>
    %broadcast_in_dim3A_600 = vector.broadcast %broadcast_in_dim3A_599 : vector<1x256xf32> to vector<6x256xf32>
    %get3A_601 = arith.constant 511 : index
    %get3A_602 = arith.constant 0 : index
    %get3A_603 = vector.load %arg25[%get3A_601, %get3A_602] : memref<512x1024xf32, #tpu.memory_space<vmem>>, vector<1x1024xf32>
    %get3A_604 = arith.constant 511 : index
    %get3A_605 = arith.constant 0 : index
    %get3A_606 = vector.load %arg26[%get3A_604, %get3A_605] : memref<512x256xf32, #tpu.memory_space<vmem>>, vector<1x256xf32>
    %broadcast_in_dim3A_607 = vector.shape_cast %get3A_606 : vector<1x256xf32> to vector<1x256xf32>
    %broadcast_in_dim3A_608 = vector.broadcast %broadcast_in_dim3A_607 : vector<1x256xf32> to vector<6x256xf32>
    %scan3A = arith.constant 0 : i32
    %scan3A_609 = arith.constant 128 : i32
    %scan3A_610 = arith.addi %scan3A, %scan3A_609 : i32
    %scan3A_611 = arith.constant 1 : i32
    %scan3A_612:18 = scf.for %scan3A_614 = %scan3A to %scan3A_610 step %scan3A_611 iter_args(%scan3A_615 = %broadcast_in_dim3A_590, %scan3A_616 = %broadcast_in_dim3A_592, %scan3A_617 = %broadcast_in_dim3A_592, %scan3A_618 = %broadcast_in_dim3A_592, %scan3A_619 = %broadcast_in_dim3A_592, %scan3A_620 = %broadcast_in_dim3A_592, %scan3A_621 = %broadcast_in_dim3A_592, %scan3A_622 = %get3A_595, %scan3A_623 = %broadcast_in_dim3A_600, %scan3A_624 = %broadcast_in_dim3A_590, %scan3A_625 = %broadcast_in_dim3A_592, %scan3A_626 = %broadcast_in_dim3A_592, %scan3A_627 = %broadcast_in_dim3A_592, %scan3A_628 = %broadcast_in_dim3A_592, %scan3A_629 = %broadcast_in_dim3A_592, %scan3A_630 = %broadcast_in_dim3A_592, %scan3A_631 = %get3A_603, %scan3A_632 = %broadcast_in_dim3A_608) -> (vector<1x256xf32>, vector<6x256xf32>, vector<6x256xf32>, vector<6x256xf32>, vector<6x256xf32>, vector<6x256xf32>, vector<6x256xf32>, vector<1x1024xf32>, vector<6x256xf32>, vector<1x256xf32>, vector<6x256xf32>, vector<6x256xf32>, vector<6x256xf32>, vector<6x256xf32>, vector<6x256xf32>, vector<6x256xf32>, vector<1x1024xf32>, vector<6x256xf32>)  : i32 {
      %mul3A = arith.constant 8 : i32
      %mul3A_633 = arith.muli %mul3A, %scan3A_614 : i32
      %get3A_634 = arith.index_cast %mul3A_633 : i32 to index
      %get3A_635 = arith.constant 0 : index
      %get3A_636 = vector.load %arg27[%get3A_634, %get3A_635] : memref<1280x768xf32, #tpu.memory_space<vmem>>, vector<16x768xf32>
      %mul3A_637 = arith.constant 8 : i32
      %mul3A_638 = arith.muli %mul3A_637, %scan3A_614 : i32
      %sub3A = arith.constant 1016 : i32
      %sub3A_639 = arith.subi %sub3A, %mul3A_638 : i32
      %get3A_640 = arith.index_cast %sub3A_639 : i32 to index
      %get3A_641 = arith.constant 0 : index
      %get3A_642 = vector.load %arg28[%get3A_640, %get3A_641] : memref<1280x768xf32, #tpu.memory_space<vmem>>, vector<16x768xf32>
      %mul3A_643 = arith.constant 32 : i32
      %mul3A_644 = arith.muli %mul3A_643, %scan3A_614 : i32
      %get3A_645 = arith.index_cast %mul3A_644 : i32 to index
      %get3A_646 = arith.constant 0 : index
      %get3A_647 = vector.load %arg2[%get3A_645, %get3A_646] : memref<4096x256xf32, #tpu.memory_space<vmem>>, vector<32x256xf32>
      %mul3A_648 = arith.constant 32 : i32
      %mul3A_649 = arith.muli %mul3A_648, %scan3A_614 : i32
      %sub3A_650 = arith.constant 4064 : i32
      %sub3A_651 = arith.subi %sub3A_650, %mul3A_649 : i32
      %get3A_652 = arith.index_cast %sub3A_651 : i32 to index
      %get3A_653 = arith.constant 0 : index
      %get3A_654 = vector.load %arg3[%get3A_652, %get3A_653] : memref<4096x256xf32, #tpu.memory_space<vmem>>, vector<32x256xf32>
      %mul3A_655 = arith.constant 4 : i32
      %mul3A_656 = arith.muli %mul3A_655, %scan3A_614 : i32
      %add3A_657 = arith.constant 0 : i32
      %add3A_658 = arith.addi %mul3A_656, %add3A_657 : i32
      %sub3A_659 = arith.constant 511 : i32
      %sub3A_660 = arith.subi %sub3A_659, %add3A_658 : i32
      %add3A_661 = arith.constant 1 : i32
      %add3A_662 = arith.addi %add3A_658, %add3A_661 : i32
      %min3A = arith.constant 511 : i32
      %min3A_663 = arith.minsi %add3A_662, %min3A : i32
      %sub3A_664 = arith.constant 1 : i32
      %sub3A_665 = arith.subi %sub3A_660, %sub3A_664 : i32
      %max3A = arith.constant 0 : i32
      %max3A_666 = arith.maxsi %sub3A_665, %max3A : i32
      %slice3A = vector.extract_strided_slice %get3A_636 {offsets = [6, 0], sizes = [2, 768], strides = [1, 1]} : vector<16x768xf32> to vector<2x768xf32>
      %slice3A_667 = vector.extract_strided_slice %get3A_647 {offsets = [0, 0], sizes = [6, 256], strides = [1, 1]} : vector<32x256xf32> to vector<6x256xf32>
      %slice3A_668 = vector.extract_strided_slice %scan3A_622 {offsets = [0, 0], sizes = [1, 768], strides = [1, 1]} : vector<1x1024xf32> to vector<1x768xf32>
      %logistic3A = arith.negf %slice3A_668 : vector<1x768xf32>
      %logistic3A_669 = math.exp %logistic3A : vector<1x768xf32>
      %logistic3A_670 = arith.constant 1.000000e+00 : f32
      %logistic3A_671 = vector.broadcast %logistic3A_670 : f32 to vector<1x768xf32>
      %logistic3A_672 = arith.addf %logistic3A_671, %logistic3A_669 : vector<1x768xf32>
      %logistic3A_673 = arith.divf %logistic3A_671, %logistic3A_672 : vector<1x768xf32>
      %slice3A_674 = vector.extract_strided_slice %logistic3A_673 {offsets = [0, 0], sizes = [1, 256], strides = [1, 1]} : vector<1x768xf32> to vector<1x256xf32>
      %slice3A_675 = vector.extract_strided_slice %logistic3A_673 {offsets = [0, 256], sizes = [1, 256], strides = [1, 1]} : vector<1x768xf32> to vector<1x256xf32>
      %slice3A_676 = vector.extract_strided_slice %logistic3A_673 {offsets = [0, 512], sizes = [1, 256], strides = [1, 1]} : vector<1x768xf32> to vector<1x256xf32>
      %slice3A_677 = vector.extract_strided_slice %scan3A_622 {offsets = [0, 768], sizes = [1, 256], strides = [1, 1]} : vector<1x1024xf32> to vector<1x256xf32>
      %tanh3A = math.tanh %slice3A_677 : vector<1x256xf32>
      %logistic3A_678 = arith.negf %scan3A_623 : vector<6x256xf32>
      %logistic3A_679 = math.exp %logistic3A_678 : vector<6x256xf32>
      %logistic3A_680 = arith.constant 1.000000e+00 : f32
      %logistic3A_681 = vector.broadcast %logistic3A_680 : f32 to vector<6x256xf32>
      %logistic3A_682 = arith.addf %logistic3A_681, %logistic3A_679 : vector<6x256xf32>
      %logistic3A_683 = arith.divf %logistic3A_681, %logistic3A_682 : vector<6x256xf32>
      %exp3A = math.exp %logistic3A_683 : vector<6x256xf32>
      %mul3A_684 = arith.mulf %scan3A_619, %exp3A : vector<6x256xf32>
      %exp3A_685 = math.exp %slice3A_674 : vector<1x256xf32>
      %reduce_sum3A = arith.constant dense<0.000000e+00> : vector<256xf32>
      %reduce_sum3A_686 = vector.multi_reduction <add>, %mul3A_684, %reduce_sum3A [0] : vector<6x256xf32> to vector<256xf32>
      %broadcast_in_dim3A_687 = vector.shape_cast %reduce_sum3A_686 : vector<256xf32> to vector<1x256xf32>
      %mul3A_688 = arith.mulf %mul3A_684, %scan3A_616 : vector<6x256xf32>
      %reduce_sum3A_689 = arith.constant dense<0.000000e+00> : vector<256xf32>
      %reduce_sum3A_690 = vector.multi_reduction <add>, %mul3A_688, %reduce_sum3A_689 [0] : vector<6x256xf32> to vector<256xf32>
      %broadcast_in_dim3A_691 = vector.shape_cast %reduce_sum3A_690 : vector<256xf32> to vector<1x256xf32>
      %reduce_max3A = arith.constant dense<0xFF800000> : vector<256xf32>
      %reduce_max3A_692 = vector.multi_reduction <maximumf>, %scan3A_619, %reduce_max3A [0] : vector<6x256xf32> to vector<256xf32>
      %broadcast_in_dim3A_693 = vector.shape_cast %reduce_max3A_692 : vector<256xf32> to vector<1x256xf32>
      %mul3A_694 = arith.mulf %exp3A_685, %tanh3A : vector<1x256xf32>
      %add3A_695 = arith.addf %mul3A_694, %broadcast_in_dim3A_691 : vector<1x256xf32>
      %add3A_696 = arith.addf %exp3A_685, %broadcast_in_dim3A_687 : vector<1x256xf32>
      %div3A = arith.divf %add3A_695, %add3A_696 : vector<1x256xf32>
      %mul3A_697 = arith.mulf %slice3A_675, %scan3A_615 : vector<1x256xf32>
      %mul3A_698 = arith.mulf %slice3A_674, %tanh3A : vector<1x256xf32>
      %add3A_699 = arith.addf %mul3A_697, %mul3A_698 : vector<1x256xf32>
      %gt3A = arith.constant 5.000000e-01 : f32
      %gt3A_700 = vector.broadcast %gt3A : f32 to vector<1x256xf32>
      %gt3A_701 = arith.cmpf ogt, %broadcast_in_dim3A_693, %gt3A_700 : vector<1x256xf32>
      %select_n3A = arith.select %gt3A_701, %div3A, %add3A_699 : vector<1x256xi1>, vector<1x256xf32>
      %tanh3A_702 = math.tanh %select_n3A : vector<1x256xf32>
      %mul3A_703 = arith.mulf %slice3A_676, %tanh3A_702 : vector<1x256xf32>
      %get3A_704 = arith.constant 0 : index
      %get3A_705 = arith.constant 0 : index
      %get3A_706 = vector.load %arg6[%get3A_704, %get3A_705] : memref<256x768xbf16, #tpu.memory_space<vmem>>, vector<256x768xbf16>
      %convert_element_type3A_707 = arith.truncf %mul3A_703 : vector<1x256xf32> to vector<1x256xbf16>
      %dot_general3A_708 = arith.constant dense<0.000000e+00> : vector<1x768xf32>
      %dot_general3A_709 = tpu.matmul %convert_element_type3A_707, %get3A_706, %dot_general3A_708 {dimension_numbers = #tpu.dot_dimension_numbers<[1], [0], [0], [1], [0, 0, 1, 1], [], []>, transpose_lhs_hint = false} : vector<1x256xbf16>, vector<256x768xbf16>, vector<1x768xf32> -> vector<1x768xf32>
      %add3A_710 = vector.broadcast %dot_general3A_709 : vector<1x768xf32> to vector<2x768xf32>
      %add3A_711 = arith.addf %slice3A, %add3A_710 : vector<2x768xf32>
      %slice3A_712 = vector.extract_strided_slice %add3A_711 {offsets = [0, 0], sizes = [2, 512], strides = [1, 1]} : vector<2x768xf32> to vector<2x512xf32>
      %logistic3A_713 = arith.negf %slice3A_712 : vector<2x512xf32>
      %logistic3A_714 = math.exp %logistic3A_713 : vector<2x512xf32>
      %logistic3A_715 = arith.constant 1.000000e+00 : f32
      %logistic3A_716 = vector.broadcast %logistic3A_715 : f32 to vector<2x512xf32>
      %logistic3A_717 = arith.addf %logistic3A_716, %logistic3A_714 : vector<2x512xf32>
      %logistic3A_718 = arith.divf %logistic3A_716, %logistic3A_717 : vector<2x512xf32>
      %slice3A_719 = vector.extract_strided_slice %logistic3A_718 {offsets = [0, 0], sizes = [2, 256], strides = [1, 1]} : vector<2x512xf32> to vector<2x256xf32>
      %slice3A_720 = vector.extract_strided_slice %logistic3A_718 {offsets = [0, 256], sizes = [2, 256], strides = [1, 1]} : vector<2x512xf32> to vector<2x256xf32>
      %slice3A_721 = vector.extract_strided_slice %add3A_711 {offsets = [0, 512], sizes = [2, 256], strides = [1, 1]} : vector<2x768xf32> to vector<2x256xf32>
      %tanh3A_722 = math.tanh %slice3A_721 : vector<2x256xf32>
      %mul3A_723 = vector.broadcast %select_n3A : vector<1x256xf32> to vector<2x256xf32>
      %mul3A_724 = arith.mulf %slice3A_720, %mul3A_723 : vector<2x256xf32>
      %mul3A_725 = arith.mulf %slice3A_719, %tanh3A_722 : vector<2x256xf32>
      %add3A_726 = arith.addf %mul3A_724, %mul3A_725 : vector<2x256xf32>
      %concatenate3A = tpu.concatenate %add3A_726, %add3A_726, %add3A_726 in 0 : vector<2x256xf32>, vector<2x256xf32>, vector<2x256xf32> -> vector<6x256xf32>
      %broadcast_in_dim3A_727 = arith.constant 0.000000e+00 : f32
      %broadcast_in_dim3A_728 = vector.broadcast %broadcast_in_dim3A_727 : f32 to vector<4x256xf32>
      %slice3A_729 = vector.extract_strided_slice %scan3A_617 {offsets = [0, 0], sizes = [4, 256], strides = [1, 1]} : vector<6x256xf32> to vector<4x256xf32>
      %slice3A_730 = vector.extract_strided_slice %concatenate3A {offsets = [0, 0], sizes = [2, 256], strides = [1, 1]} : vector<6x256xf32> to vector<2x256xf32>
      %concatenate3A_731 = tpu.concatenate %slice3A_729, %slice3A_730 in 0 : vector<4x256xf32>, vector<2x256xf32> -> vector<6x256xf32>
      %slice3A_732 = vector.extract_strided_slice %scan3A_618 {offsets = [0, 0], sizes = [2, 256], strides = [1, 1]} : vector<6x256xf32> to vector<2x256xf32>
      %slice3A_733 = vector.extract_strided_slice %concatenate3A {offsets = [2, 0], sizes = [2, 256], strides = [1, 1]} : vector<6x256xf32> to vector<2x256xf32>
      %slice3A_734 = vector.extract_strided_slice %scan3A_618 {offsets = [4, 0], sizes = [2, 256], strides = [1, 1]} : vector<6x256xf32> to vector<2x256xf32>
      %concatenate3A_735 = tpu.concatenate %slice3A_732, %slice3A_733, %slice3A_734 in 0 : vector<2x256xf32>, vector<2x256xf32>, vector<2x256xf32> -> vector<6x256xf32>
      %slice3A_736 = vector.extract_strided_slice %concatenate3A {offsets = [4, 0], sizes = [2, 256], strides = [1, 1]} : vector<6x256xf32> to vector<2x256xf32>
      %concatenate3A_737 = tpu.concatenate %slice3A_736, %broadcast_in_dim3A_728 in 0 : vector<2x256xf32>, vector<4x256xf32> -> vector<6x256xf32>
      %broadcast_in_dim3A_738 = arith.constant 0.000000e+00 : f32
      %broadcast_in_dim3A_739 = vector.broadcast %broadcast_in_dim3A_738 : f32 to vector<4x256xf32>
      %slice3A_740 = vector.extract_strided_slice %scan3A_620 {offsets = [0, 0], sizes = [4, 256], strides = [1, 1]} : vector<6x256xf32> to vector<4x256xf32>
      %slice3A_741 = vector.extract_strided_slice %slice3A_667 {offsets = [0, 0], sizes = [2, 256], strides = [1, 1]} : vector<6x256xf32> to vector<2x256xf32>
      %concatenate3A_742 = tpu.concatenate %slice3A_740, %slice3A_741 in 0 : vector<4x256xf32>, vector<2x256xf32> -> vector<6x256xf32>
      %slice3A_743 = vector.extract_strided_slice %scan3A_621 {offsets = [0, 0], sizes = [2, 256], strides = [1, 1]} : vector<6x256xf32> to vector<2x256xf32>
      %slice3A_744 = vector.extract_strided_slice %slice3A_667 {offsets = [2, 0], sizes = [2, 256], strides = [1, 1]} : vector<6x256xf32> to vector<2x256xf32>
      %slice3A_745 = vector.extract_strided_slice %scan3A_621 {offsets = [4, 0], sizes = [2, 256], strides = [1, 1]} : vector<6x256xf32> to vector<2x256xf32>
      %concatenate3A_746 = tpu.concatenate %slice3A_743, %slice3A_744, %slice3A_745 in 0 : vector<2x256xf32>, vector<2x256xf32>, vector<2x256xf32> -> vector<6x256xf32>
      %slice3A_747 = vector.extract_strided_slice %slice3A_667 {offsets = [4, 0], sizes = [2, 256], strides = [1, 1]} : vector<6x256xf32> to vector<2x256xf32>
      %concatenate3A_748 = tpu.concatenate %slice3A_747, %broadcast_in_dim3A_739 in 0 : vector<2x256xf32>, vector<4x256xf32> -> vector<6x256xf32>
      %get3A_749 = arith.index_cast %min3A_663 : i32 to index
      %get3A_750 = arith.constant 0 : index
      %get3A_751 = vector.load %arg23[%get3A_749, %get3A_750] : memref<512x1024xf32, #tpu.memory_space<vmem>>, vector<1x1024xf32>
      %get3A_752 = arith.constant 0 : index
      %get3A_753 = arith.constant 0 : index
      %get3A_754 = vector.load %arg4[%get3A_752, %get3A_753] : memref<256x1024xbf16, #tpu.memory_space<vmem>>, vector<256x1024xbf16>
      %convert_element_type3A_755 = arith.truncf %mul3A_703 : vector<1x256xf32> to vector<1x256xbf16>
      %dot_general3A_756 = arith.constant dense<0.000000e+00> : vector<1x1024xf32>
      %dot_general3A_757 = tpu.matmul %convert_element_type3A_755, %get3A_754, %dot_general3A_756 {dimension_numbers = #tpu.dot_dimension_numbers<[1], [0], [0], [1], [0, 0, 1, 1], [], []>, transpose_lhs_hint = false} : vector<1x256xbf16>, vector<256x1024xbf16>, vector<1x1024xf32> -> vector<1x1024xf32>
      %add3A_758 = arith.addf %get3A_751, %dot_general3A_757 : vector<1x1024xf32>
      %get3A_759 = arith.index_cast %min3A_663 : i32 to index
      %get3A_760 = arith.constant 0 : index
      %get3A_761 = vector.load %arg24[%get3A_759, %get3A_760] : memref<512x256xf32, #tpu.memory_space<vmem>>, vector<1x256xf32>
      %slice3A_762 = vector.extract_strided_slice %scan3A_617 {offsets = [0, 0], sizes = [4, 256], strides = [1, 1]} : vector<6x256xf32> to vector<4x256xf32>
      %get3A_763 = arith.constant 0 : index
      %get3A_764 = arith.constant 0 : index
      %get3A_765 = vector.load %arg8[%get3A_763, %get3A_764] : memref<256x256xbf16, #tpu.memory_space<vmem>>, vector<256x256xbf16>
      %convert_element_type3A_766 = arith.truncf %slice3A_762 : vector<4x256xf32> to vector<4x256xbf16>
      %dot_general3A_767 = arith.constant dense<0.000000e+00> : vector<4x256xf32>
      %dot_general3A_768 = tpu.matmul %convert_element_type3A_766, %get3A_765, %dot_general3A_767 {dimension_numbers = #tpu.dot_dimension_numbers<[1], [0], [0], [1], [0, 0, 1, 1], [], []>, transpose_lhs_hint = false} : vector<4x256xbf16>, vector<256x256xbf16>, vector<4x256xf32> -> vector<4x256xf32>
      %get3A_769 = arith.constant 0 : index
      %get3A_770 = arith.constant 0 : index
      %get3A_771 = vector.load %arg8[%get3A_769, %get3A_770] : memref<256x256xbf16, #tpu.memory_space<vmem>>, vector<256x256xbf16>
      %convert_element_type3A_772 = arith.truncf %add3A_726 : vector<2x256xf32> to vector<2x256xbf16>
      %dot_general3A_773 = arith.constant dense<0.000000e+00> : vector<2x256xf32>
      %dot_general3A_774 = tpu.matmul %convert_element_type3A_772, %get3A_771, %dot_general3A_773 {dimension_numbers = #tpu.dot_dimension_numbers<[1], [0], [0], [1], [0, 0, 1, 1], [], []>, transpose_lhs_hint = false} : vector<2x256xbf16>, vector<256x256xbf16>, vector<2x256xf32> -> vector<2x256xf32>
      %concatenate3A_775 = tpu.concatenate %dot_general3A_768, %dot_general3A_774 in 0 : vector<4x256xf32>, vector<2x256xf32> -> vector<6x256xf32>
      %add3A_776 = vector.broadcast %get3A_761 : vector<1x256xf32> to vector<6x256xf32>
      %add3A_777 = arith.addf %add3A_776, %concatenate3A_775 : vector<6x256xf32>
      %slice3A_778 = vector.extract_strided_slice %get3A_642 {offsets = [6, 0], sizes = [6, 768], strides = [1, 1]} : vector<16x768xf32> to vector<6x768xf32>
      %slice3A_779 = vector.extract_strided_slice %get3A_654 {offsets = [24, 0], sizes = [6, 256], strides = [1, 1]} : vector<32x256xf32> to vector<6x256xf32>
      %slice3A_780 = vector.extract_strided_slice %scan3A_631 {offsets = [0, 0], sizes = [1, 768], strides = [1, 1]} : vector<1x1024xf32> to vector<1x768xf32>
      %logistic3A_781 = arith.negf %slice3A_780 : vector<1x768xf32>
      %logistic3A_782 = math.exp %logistic3A_781 : vector<1x768xf32>
      %logistic3A_783 = arith.constant 1.000000e+00 : f32
      %logistic3A_784 = vector.broadcast %logistic3A_783 : f32 to vector<1x768xf32>
      %logistic3A_785 = arith.addf %logistic3A_784, %logistic3A_782 : vector<1x768xf32>
      %logistic3A_786 = arith.divf %logistic3A_784, %logistic3A_785 : vector<1x768xf32>
      %slice3A_787 = vector.extract_strided_slice %logistic3A_786 {offsets = [0, 0], sizes = [1, 256], strides = [1, 1]} : vector<1x768xf32> to vector<1x256xf32>
      %slice3A_788 = vector.extract_strided_slice %logistic3A_786 {offsets = [0, 256], sizes = [1, 256], strides = [1, 1]} : vector<1x768xf32> to vector<1x256xf32>
      %slice3A_789 = vector.extract_strided_slice %logistic3A_786 {offsets = [0, 512], sizes = [1, 256], strides = [1, 1]} : vector<1x768xf32> to vector<1x256xf32>
      %slice3A_790 = vector.extract_strided_slice %scan3A_631 {offsets = [0, 768], sizes = [1, 256], strides = [1, 1]} : vector<1x1024xf32> to vector<1x256xf32>
      %tanh3A_791 = math.tanh %slice3A_790 : vector<1x256xf32>
      %logistic3A_792 = arith.negf %scan3A_632 : vector<6x256xf32>
      %logistic3A_793 = math.exp %logistic3A_792 : vector<6x256xf32>
      %logistic3A_794 = arith.constant 1.000000e+00 : f32
      %logistic3A_795 = vector.broadcast %logistic3A_794 : f32 to vector<6x256xf32>
      %logistic3A_796 = arith.addf %logistic3A_795, %logistic3A_793 : vector<6x256xf32>
      %logistic3A_797 = arith.divf %logistic3A_795, %logistic3A_796 : vector<6x256xf32>
      %exp3A_798 = math.exp %logistic3A_797 : vector<6x256xf32>
      %mul3A_799 = arith.mulf %scan3A_628, %exp3A_798 : vector<6x256xf32>
      %exp3A_800 = math.exp %slice3A_787 : vector<1x256xf32>
      %reduce_sum3A_801 = arith.constant dense<0.000000e+00> : vector<256xf32>
      %reduce_sum3A_802 = vector.multi_reduction <add>, %mul3A_799, %reduce_sum3A_801 [0] : vector<6x256xf32> to vector<256xf32>
      %broadcast_in_dim3A_803 = vector.shape_cast %reduce_sum3A_802 : vector<256xf32> to vector<1x256xf32>
      %mul3A_804 = arith.mulf %mul3A_799, %scan3A_625 : vector<6x256xf32>
      %reduce_sum3A_805 = arith.constant dense<0.000000e+00> : vector<256xf32>
      %reduce_sum3A_806 = vector.multi_reduction <add>, %mul3A_804, %reduce_sum3A_805 [0] : vector<6x256xf32> to vector<256xf32>
      %broadcast_in_dim3A_807 = vector.shape_cast %reduce_sum3A_806 : vector<256xf32> to vector<1x256xf32>
      %reduce_max3A_808 = arith.constant dense<0xFF800000> : vector<256xf32>
      %reduce_max3A_809 = vector.multi_reduction <maximumf>, %scan3A_628, %reduce_max3A_808 [0] : vector<6x256xf32> to vector<256xf32>
      %broadcast_in_dim3A_810 = vector.shape_cast %reduce_max3A_809 : vector<256xf32> to vector<1x256xf32>
      %mul3A_811 = arith.mulf %exp3A_800, %tanh3A_791 : vector<1x256xf32>
      %add3A_812 = arith.addf %mul3A_811, %broadcast_in_dim3A_807 : vector<1x256xf32>
      %add3A_813 = arith.addf %exp3A_800, %broadcast_in_dim3A_803 : vector<1x256xf32>
      %div3A_814 = arith.divf %add3A_812, %add3A_813 : vector<1x256xf32>
      %mul3A_815 = arith.mulf %slice3A_788, %scan3A_624 : vector<1x256xf32>
      %mul3A_816 = arith.mulf %slice3A_787, %tanh3A_791 : vector<1x256xf32>
      %add3A_817 = arith.addf %mul3A_815, %mul3A_816 : vector<1x256xf32>
      %gt3A_818 = arith.constant 5.000000e-01 : f32
      %gt3A_819 = vector.broadcast %gt3A_818 : f32 to vector<1x256xf32>
      %gt3A_820 = arith.cmpf ogt, %broadcast_in_dim3A_810, %gt3A_819 : vector<1x256xf32>
      %select_n3A_821 = arith.select %gt3A_820, %div3A_814, %add3A_817 : vector<1x256xi1>, vector<1x256xf32>
      %tanh3A_822 = math.tanh %select_n3A_821 : vector<1x256xf32>
      %mul3A_823 = arith.mulf %slice3A_789, %tanh3A_822 : vector<1x256xf32>
      %get3A_824 = arith.constant 0 : index
      %get3A_825 = arith.constant 0 : index
      %get3A_826 = vector.load %arg11[%get3A_824, %get3A_825] : memref<256x768xbf16, #tpu.memory_space<vmem>>, vector<256x768xbf16>
      %convert_element_type3A_827 = arith.truncf %mul3A_823 : vector<1x256xf32> to vector<1x256xbf16>
      %dot_general3A_828 = arith.constant dense<0.000000e+00> : vector<1x768xf32>
      %dot_general3A_829 = tpu.matmul %convert_element_type3A_827, %get3A_826, %dot_general3A_828 {dimension_numbers = #tpu.dot_dimension_numbers<[1], [0], [0], [1], [0, 0, 1, 1], [], []>, transpose_lhs_hint = false} : vector<1x256xbf16>, vector<256x768xbf16>, vector<1x768xf32> -> vector<1x768xf32>
      %add3A_830 = vector.broadcast %dot_general3A_829 : vector<1x768xf32> to vector<6x768xf32>
      %add3A_831 = arith.addf %slice3A_778, %add3A_830 : vector<6x768xf32>
      %slice3A_832 = vector.extract_strided_slice %add3A_831 {offsets = [0, 0], sizes = [6, 512], strides = [1, 1]} : vector<6x768xf32> to vector<6x512xf32>
      %logistic3A_833 = arith.negf %slice3A_832 : vector<6x512xf32>
      %logistic3A_834 = math.exp %logistic3A_833 : vector<6x512xf32>
      %logistic3A_835 = arith.constant 1.000000e+00 : f32
      %logistic3A_836 = vector.broadcast %logistic3A_835 : f32 to vector<6x512xf32>
      %logistic3A_837 = arith.addf %logistic3A_836, %logistic3A_834 : vector<6x512xf32>
      %logistic3A_838 = arith.divf %logistic3A_836, %logistic3A_837 : vector<6x512xf32>
      %slice3A_839 = vector.extract_strided_slice %logistic3A_838 {offsets = [0, 0], sizes = [6, 256], strides = [1, 1]} : vector<6x512xf32> to vector<6x256xf32>
      %slice3A_840 = vector.extract_strided_slice %logistic3A_838 {offsets = [0, 256], sizes = [6, 256], strides = [1, 1]} : vector<6x512xf32> to vector<6x256xf32>
      %slice3A_841 = vector.extract_strided_slice %add3A_831 {offsets = [0, 512], sizes = [6, 256], strides = [1, 1]} : vector<6x768xf32> to vector<6x256xf32>
      %tanh3A_842 = math.tanh %slice3A_841 : vector<6x256xf32>
      %mul3A_843 = vector.broadcast %select_n3A_821 : vector<1x256xf32> to vector<6x256xf32>
      %mul3A_844 = arith.mulf %slice3A_840, %mul3A_843 : vector<6x256xf32>
      %mul3A_845 = arith.mulf %slice3A_839, %tanh3A_842 : vector<6x256xf32>
      %add3A_846 = arith.addf %mul3A_844, %mul3A_845 : vector<6x256xf32>
      %broadcast_in_dim3A_847 = arith.constant 0.000000e+00 : f32
      %broadcast_in_dim3A_848 = vector.broadcast %broadcast_in_dim3A_847 : f32 to vector<4x256xf32>
      %slice3A_849 = vector.extract_strided_slice %scan3A_626 {offsets = [0, 0], sizes = [4, 256], strides = [1, 1]} : vector<6x256xf32> to vector<4x256xf32>
      %slice3A_850 = vector.extract_strided_slice %add3A_846 {offsets = [4, 0], sizes = [2, 256], strides = [1, 1]} : vector<6x256xf32> to vector<2x256xf32>
      %concatenate3A_851 = tpu.concatenate %slice3A_849, %slice3A_850 in 0 : vector<4x256xf32>, vector<2x256xf32> -> vector<6x256xf32>
      %slice3A_852 = vector.extract_strided_slice %scan3A_627 {offsets = [0, 0], sizes = [2, 256], strides = [1, 1]} : vector<6x256xf32> to vector<2x256xf32>
      %slice3A_853 = vector.extract_strided_slice %add3A_846 {offsets = [2, 0], sizes = [2, 256], strides = [1, 1]} : vector<6x256xf32> to vector<2x256xf32>
      %slice3A_854 = vector.extract_strided_slice %scan3A_627 {offsets = [4, 0], sizes = [2, 256], strides = [1, 1]} : vector<6x256xf32> to vector<2x256xf32>
      %concatenate3A_855 = tpu.concatenate %slice3A_852, %slice3A_853, %slice3A_854 in 0 : vector<2x256xf32>, vector<2x256xf32>, vector<2x256xf32> -> vector<6x256xf32>
      %slice3A_856 = vector.extract_strided_slice %add3A_846 {offsets = [0, 0], sizes = [2, 256], strides = [1, 1]} : vector<6x256xf32> to vector<2x256xf32>
      %concatenate3A_857 = tpu.concatenate %slice3A_856, %broadcast_in_dim3A_848 in 0 : vector<2x256xf32>, vector<4x256xf32> -> vector<6x256xf32>
      %broadcast_in_dim3A_858 = arith.constant 0.000000e+00 : f32
      %broadcast_in_dim3A_859 = vector.broadcast %broadcast_in_dim3A_858 : f32 to vector<4x256xf32>
      %slice3A_860 = vector.extract_strided_slice %scan3A_629 {offsets = [0, 0], sizes = [4, 256], strides = [1, 1]} : vector<6x256xf32> to vector<4x256xf32>
      %slice3A_861 = vector.extract_strided_slice %slice3A_779 {offsets = [4, 0], sizes = [2, 256], strides = [1, 1]} : vector<6x256xf32> to vector<2x256xf32>
      %concatenate3A_862 = tpu.concatenate %slice3A_860, %slice3A_861 in 0 : vector<4x256xf32>, vector<2x256xf32> -> vector<6x256xf32>
      %slice3A_863 = vector.extract_strided_slice %scan3A_630 {offsets = [0, 0], sizes = [2, 256], strides = [1, 1]} : vector<6x256xf32> to vector<2x256xf32>
      %slice3A_864 = vector.extract_strided_slice %slice3A_779 {offsets = [2, 0], sizes = [2, 256], strides = [1, 1]} : vector<6x256xf32> to vector<2x256xf32>
      %slice3A_865 = vector.extract_strided_slice %scan3A_630 {offsets = [4, 0], sizes = [2, 256], strides = [1, 1]} : vector<6x256xf32> to vector<2x256xf32>
      %concatenate3A_866 = tpu.concatenate %slice3A_863, %slice3A_864, %slice3A_865 in 0 : vector<2x256xf32>, vector<2x256xf32>, vector<2x256xf32> -> vector<6x256xf32>
      %slice3A_867 = vector.extract_strided_slice %slice3A_779 {offsets = [0, 0], sizes = [2, 256], strides = [1, 1]} : vector<6x256xf32> to vector<2x256xf32>
      %concatenate3A_868 = tpu.concatenate %slice3A_867, %broadcast_in_dim3A_859 in 0 : vector<2x256xf32>, vector<4x256xf32> -> vector<6x256xf32>
      %slice3A_869 = vector.extract_strided_slice %add3A_846 {offsets = [4, 0], sizes = [2, 256], strides = [1, 1]} : vector<6x256xf32> to vector<2x256xf32>
      %get3A_870 = arith.index_cast %max3A_666 : i32 to index
      %get3A_871 = arith.constant 0 : index
      %get3A_872 = vector.load %arg25[%get3A_870, %get3A_871] : memref<512x1024xf32, #tpu.memory_space<vmem>>, vector<1x1024xf32>
      %get3A_873 = arith.constant 0 : index
      %get3A_874 = arith.constant 0 : index
      %get3A_875 = vector.load %arg9[%get3A_873, %get3A_874] : memref<256x1024xbf16, #tpu.memory_space<vmem>>, vector<256x1024xbf16>
      %convert_element_type3A_876 = arith.truncf %mul3A_823 : vector<1x256xf32> to vector<1x256xbf16>
      %dot_general3A_877 = arith.constant dense<0.000000e+00> : vector<1x1024xf32>
      %dot_general3A_878 = tpu.matmul %convert_element_type3A_876, %get3A_875, %dot_general3A_877 {dimension_numbers = #tpu.dot_dimension_numbers<[1], [0], [0], [1], [0, 0, 1, 1], [], []>, transpose_lhs_hint = false} : vector<1x256xbf16>, vector<256x1024xbf16>, vector<1x1024xf32> -> vector<1x1024xf32>
      %add3A_879 = arith.addf %get3A_872, %dot_general3A_878 : vector<1x1024xf32>
      %get3A_880 = arith.index_cast %max3A_666 : i32 to index
      %get3A_881 = arith.constant 0 : index
      %get3A_882 = vector.load %arg26[%get3A_880, %get3A_881] : memref<512x256xf32, #tpu.memory_space<vmem>>, vector<1x256xf32>
      %slice3A_883 = vector.extract_strided_slice %scan3A_626 {offsets = [0, 0], sizes = [4, 256], strides = [1, 1]} : vector<6x256xf32> to vector<4x256xf32>
      %get3A_884 = arith.constant 0 : index
      %get3A_885 = arith.constant 0 : index
      %get3A_886 = vector.load %arg13[%get3A_884, %get3A_885] : memref<256x256xbf16, #tpu.memory_space<vmem>>, vector<256x256xbf16>
      %convert_element_type3A_887 = arith.truncf %slice3A_883 : vector<4x256xf32> to vector<4x256xbf16>
      %dot_general3A_888 = arith.constant dense<0.000000e+00> : vector<4x256xf32>
      %dot_general3A_889 = tpu.matmul %convert_element_type3A_887, %get3A_886, %dot_general3A_888 {dimension_numbers = #tpu.dot_dimension_numbers<[1], [0], [0], [1], [0, 0, 1, 1], [], []>, transpose_lhs_hint = false} : vector<4x256xbf16>, vector<256x256xbf16>, vector<4x256xf32> -> vector<4x256xf32>
      %get3A_890 = arith.constant 0 : index
      %get3A_891 = arith.constant 0 : index
      %get3A_892 = vector.load %arg13[%get3A_890, %get3A_891] : memref<256x256xbf16, #tpu.memory_space<vmem>>, vector<256x256xbf16>
      %convert_element_type3A_893 = arith.truncf %slice3A_869 : vector<2x256xf32> to vector<2x256xbf16>
      %dot_general3A_894 = arith.constant dense<0.000000e+00> : vector<2x256xf32>
      %dot_general3A_895 = tpu.matmul %convert_element_type3A_893, %get3A_892, %dot_general3A_894 {dimension_numbers = #tpu.dot_dimension_numbers<[1], [0], [0], [1], [0, 0, 1, 1], [], []>, transpose_lhs_hint = false} : vector<2x256xbf16>, vector<256x256xbf16>, vector<2x256xf32> -> vector<2x256xf32>
      %concatenate3A_896 = tpu.concatenate %dot_general3A_889, %dot_general3A_895 in 0 : vector<4x256xf32>, vector<2x256xf32> -> vector<6x256xf32>
      %add3A_897 = vector.broadcast %get3A_882 : vector<1x256xf32> to vector<6x256xf32>
      %add3A_898 = arith.addf %add3A_897, %concatenate3A_896 : vector<6x256xf32>
      %swap3A_899 = arith.index_cast %add3A_658 : i32 to index
      %swap3A_900 = arith.constant 0 : index
      %swap3A_901 = vector.load %arg22[%swap3A_899, %swap3A_900] : memref<512x512xf32, #tpu.memory_space<vmem>>, vector<1x256xf32>
      tpu.vector_store %arg22[%swap3A_899, %swap3A_900], %mul3A_703 {strides = array<i32>} : memref<512x512xf32, #tpu.memory_space<vmem>>, vector<1x256xf32>,
      %swap3A_902 = arith.index_cast %sub3A_660 : i32 to index
      %swap3A_903 = arith.constant 256 : index
      %swap3A_904 = vector.load %arg22[%swap3A_902, %swap3A_903] : memref<512x512xf32, #tpu.memory_space<vmem>>, vector<1x256xf32>
      tpu.vector_store %arg22[%swap3A_902, %swap3A_903], %mul3A_823 {strides = array<i32>} : memref<512x512xf32, #tpu.memory_space<vmem>>, vector<1x256xf32>,
      %mul3A_905 = arith.constant 4 : i32
      %mul3A_906 = arith.muli %mul3A_905, %scan3A_614 : i32
      %add3A_907 = arith.constant 1 : i32
      %add3A_908 = arith.addi %mul3A_906, %add3A_907 : i32
      %sub3A_909 = arith.constant 511 : i32
      %sub3A_910 = arith.subi %sub3A_909, %add3A_908 : i32
      %add3A_911 = arith.constant 1 : i32
      %add3A_912 = arith.addi %add3A_908, %add3A_911 : i32
      %min3A_913 = arith.constant 511 : i32
      %min3A_914 = arith.minsi %add3A_912, %min3A_913 : i32
      %sub3A_915 = arith.constant 1 : i32
      %sub3A_916 = arith.subi %sub3A_910, %sub3A_915 : i32
      %max3A_917 = arith.constant 0 : i32
      %max3A_918 = arith.maxsi %sub3A_916, %max3A_917 : i32
      %slice3A_919 = vector.extract_strided_slice %get3A_636 {offsets = [8, 0], sizes = [2, 768], strides = [1, 1]} : vector<16x768xf32> to vector<2x768xf32>
      %slice3A_920 = vector.extract_strided_slice %get3A_647 {offsets = [8, 0], sizes = [6, 256], strides = [1, 1]} : vector<32x256xf32> to vector<6x256xf32>
      %slice3A_921 = vector.extract_strided_slice %add3A_758 {offsets = [0, 0], sizes = [1, 768], strides = [1, 1]} : vector<1x1024xf32> to vector<1x768xf32>
      %logistic3A_922 = arith.negf %slice3A_921 : vector<1x768xf32>
      %logistic3A_923 = math.exp %logistic3A_922 : vector<1x768xf32>
      %logistic3A_924 = arith.constant 1.000000e+00 : f32
      %logistic3A_925 = vector.broadcast %logistic3A_924 : f32 to vector<1x768xf32>
      %logistic3A_926 = arith.addf %logistic3A_925, %logistic3A_923 : vector<1x768xf32>
      %logistic3A_927 = arith.divf %logistic3A_925, %logistic3A_926 : vector<1x768xf32>
      %slice3A_928 = vector.extract_strided_slice %logistic3A_927 {offsets = [0, 0], sizes = [1, 256], strides = [1, 1]} : vector<1x768xf32> to vector<1x256xf32>
      %slice3A_929 = vector.extract_strided_slice %logistic3A_927 {offsets = [0, 256], sizes = [1, 256], strides = [1, 1]} : vector<1x768xf32> to vector<1x256xf32>
      %slice3A_930 = vector.extract_strided_slice %logistic3A_927 {offsets = [0, 512], sizes = [1, 256], strides = [1, 1]} : vector<1x768xf32> to vector<1x256xf32>
      %slice3A_931 = vector.extract_strided_slice %add3A_758 {offsets = [0, 768], sizes = [1, 256], strides = [1, 1]} : vector<1x1024xf32> to vector<1x256xf32>
      %tanh3A_932 = math.tanh %slice3A_931 : vector<1x256xf32>
      %logistic3A_933 = arith.negf %add3A_777 : vector<6x256xf32>
      %logistic3A_934 = math.exp %logistic3A_933 : vector<6x256xf32>
      %logistic3A_935 = arith.constant 1.000000e+00 : f32
      %logistic3A_936 = vector.broadcast %logistic3A_935 : f32 to vector<6x256xf32>
      %logistic3A_937 = arith.addf %logistic3A_936, %logistic3A_934 : vector<6x256xf32>
      %logistic3A_938 = arith.divf %logistic3A_936, %logistic3A_937 : vector<6x256xf32>
      %exp3A_939 = math.exp %logistic3A_938 : vector<6x256xf32>
      %mul3A_940 = arith.mulf %concatenate3A_742, %exp3A_939 : vector<6x256xf32>
      %exp3A_941 = math.exp %slice3A_928 : vector<1x256xf32>
      %reduce_sum3A_942 = arith.constant dense<0.000000e+00> : vector<256xf32>
      %reduce_sum3A_943 = vector.multi_reduction <add>, %mul3A_940, %reduce_sum3A_942 [0] : vector<6x256xf32> to vector<256xf32>
      %broadcast_in_dim3A_944 = vector.shape_cast %reduce_sum3A_943 : vector<256xf32> to vector<1x256xf32>
      %mul3A_945 = arith.mulf %mul3A_940, %concatenate3A_731 : vector<6x256xf32>
      %reduce_sum3A_946 = arith.constant dense<0.000000e+00> : vector<256xf32>
      %reduce_sum3A_947 = vector.multi_reduction <add>, %mul3A_945, %reduce_sum3A_946 [0] : vector<6x256xf32> to vector<256xf32>
      %broadcast_in_dim3A_948 = vector.shape_cast %reduce_sum3A_947 : vector<256xf32> to vector<1x256xf32>
      %reduce_max3A_949 = arith.constant dense<0xFF800000> : vector<256xf32>
      %reduce_max3A_950 = vector.multi_reduction <maximumf>, %concatenate3A_742, %reduce_max3A_949 [0] : vector<6x256xf32> to vector<256xf32>
      %broadcast_in_dim3A_951 = vector.shape_cast %reduce_max3A_950 : vector<256xf32> to vector<1x256xf32>
      %mul3A_952 = arith.mulf %exp3A_941, %tanh3A_932 : vector<1x256xf32>
      %add3A_953 = arith.addf %mul3A_952, %broadcast_in_dim3A_948 : vector<1x256xf32>
      %add3A_954 = arith.addf %exp3A_941, %broadcast_in_dim3A_944 : vector<1x256xf32>
      %div3A_955 = arith.divf %add3A_953, %add3A_954 : vector<1x256xf32>
      %mul3A_956 = arith.mulf %slice3A_929, %select_n3A : vector<1x256xf32>
      %mul3A_957 = arith.mulf %slice3A_928, %tanh3A_932 : vector<1x256xf32>
      %add3A_958 = arith.addf %mul3A_956, %mul3A_957 : vector<1x256xf32>
      %gt3A_959 = arith.constant 5.000000e-01 : f32
      %gt3A_960 = vector.broadcast %gt3A_959 : f32 to vector<1x256xf32>
      %gt3A_961 = arith.cmpf ogt, %broadcast_in_dim3A_951, %gt3A_960 : vector<1x256xf32>
      %select_n3A_962 = arith.select %gt3A_961, %div3A_955, %add3A_958 : vector<1x256xi1>, vector<1x256xf32>
      %tanh3A_963 = math.tanh %select_n3A_962 : vector<1x256xf32>
      %mul3A_964 = arith.mulf %slice3A_930, %tanh3A_963 : vector<1x256xf32>
      %get3A_965 = arith.constant 0 : index
      %get3A_966 = arith.constant 0 : index
      %get3A_967 = vector.load %arg6[%get3A_965, %get3A_966] : memref<256x768xbf16, #tpu.memory_space<vmem>>, vector<256x768xbf16>
      %convert_element_type3A_968 = arith.truncf %mul3A_964 : vector<1x256xf32> to vector<1x256xbf16>
      %dot_general3A_969 = arith.constant dense<0.000000e+00> : vector<1x768xf32>
      %dot_general3A_970 = tpu.matmul %convert_element_type3A_968, %get3A_967, %dot_general3A_969 {dimension_numbers = #tpu.dot_dimension_numbers<[1], [0], [0], [1], [0, 0, 1, 1], [], []>, transpose_lhs_hint = false} : vector<1x256xbf16>, vector<256x768xbf16>, vector<1x768xf32> -> vector<1x768xf32>
      %add3A_971 = vector.broadcast %dot_general3A_970 : vector<1x768xf32> to vector<2x768xf32>
      %add3A_972 = arith.addf %slice3A_919, %add3A_971 : vector<2x768xf32>
      %slice3A_973 = vector.extract_strided_slice %add3A_972 {offsets = [0, 0], sizes = [2, 512], strides = [1, 1]} : vector<2x768xf32> to vector<2x512xf32>
      %logistic3A_974 = arith.negf %slice3A_973 : vector<2x512xf32>
      %logistic3A_975 = math.exp %logistic3A_974 : vector<2x512xf32>
      %logistic3A_976 = arith.constant 1.000000e+00 : f32
      %logistic3A_977 = vector.broadcast %logistic3A_976 : f32 to vector<2x512xf32>
      %logistic3A_978 = arith.addf %logistic3A_977, %logistic3A_975 : vector<2x512xf32>
      %logistic3A_979 = arith.divf %logistic3A_977, %logistic3A_978 : vector<2x512xf32>
      %slice3A_980 = vector.extract_strided_slice %logistic3A_979 {offsets = [0, 0], sizes = [2, 256], strides = [1, 1]} : vector<2x512xf32> to vector<2x256xf32>
      %slice3A_981 = vector.extract_strided_slice %logistic3A_979 {offsets = [0, 256], sizes = [2, 256], strides = [1, 1]} : vector<2x512xf32> to vector<2x256xf32>
      %slice3A_982 = vector.extract_strided_slice %add3A_972 {offsets = [0, 512], sizes = [2, 256], strides = [1, 1]} : vector<2x768xf32> to vector<2x256xf32>
      %tanh3A_983 = math.tanh %slice3A_982 : vector<2x256xf32>
      %mul3A_984 = vector.broadcast %select_n3A_962 : vector<1x256xf32> to vector<2x256xf32>
      %mul3A_985 = arith.mulf %slice3A_981, %mul3A_984 : vector<2x256xf32>
      %mul3A_986 = arith.mulf %slice3A_980, %tanh3A_983 : vector<2x256xf32>
      %add3A_987 = arith.addf %mul3A_985, %mul3A_986 : vector<2x256xf32>
      %concatenate3A_988 = tpu.concatenate %add3A_987, %add3A_987, %add3A_987 in 0 : vector<2x256xf32>, vector<2x256xf32>, vector<2x256xf32> -> vector<6x256xf32>
      %broadcast_in_dim3A_989 = arith.constant 0.000000e+00 : f32
      %broadcast_in_dim3A_990 = vector.broadcast %broadcast_in_dim3A_989 : f32 to vector<4x256xf32>
      %slice3A_991 = vector.extract_strided_slice %concatenate3A_735 {offsets = [0, 0], sizes = [4, 256], strides = [1, 1]} : vector<6x256xf32> to vector<4x256xf32>
      %slice3A_992 = vector.extract_strided_slice %concatenate3A_988 {offsets = [0, 0], sizes = [2, 256], strides = [1, 1]} : vector<6x256xf32> to vector<2x256xf32>
      %concatenate3A_993 = tpu.concatenate %slice3A_991, %slice3A_992 in 0 : vector<4x256xf32>, vector<2x256xf32> -> vector<6x256xf32>
      %slice3A_994 = vector.extract_strided_slice %concatenate3A_737 {offsets = [0, 0], sizes = [2, 256], strides = [1, 1]} : vector<6x256xf32> to vector<2x256xf32>
      %slice3A_995 = vector.extract_strided_slice %concatenate3A_988 {offsets = [2, 0], sizes = [2, 256], strides = [1, 1]} : vector<6x256xf32> to vector<2x256xf32>
      %slice3A_996 = vector.extract_strided_slice %concatenate3A_737 {offsets = [4, 0], sizes = [2, 256], strides = [1, 1]} : vector<6x256xf32> to vector<2x256xf32>
      %concatenate3A_997 = tpu.concatenate %slice3A_994, %slice3A_995, %slice3A_996 in 0 : vector<2x256xf32>, vector<2x256xf32>, vector<2x256xf32> -> vector<6x256xf32>
      %slice3A_998 = vector.extract_strided_slice %concatenate3A_988 {offsets = [4, 0], sizes = [2, 256], strides = [1, 1]} : vector<6x256xf32> to vector<2x256xf32>
      %concatenate3A_999 = tpu.concatenate %slice3A_998, %broadcast_in_dim3A_990 in 0 : vector<2x256xf32>, vector<4x256xf32> -> vector<6x256xf32>
      %broadcast_in_dim3A_1000 = arith.constant 0.000000e+00 : f32
      %broadcast_in_dim3A_1001 = vector.broadcast %broadcast_in_dim3A_1000 : f32 to vector<4x256xf32>
      %slice3A_1002 = vector.extract_strided_slice %concatenate3A_746 {offsets = [0, 0], sizes = [4, 256], strides = [1, 1]} : vector<6x256xf32> to vector<4x256xf32>
      %slice3A_1003 = vector.extract_strided_slice %slice3A_920 {offsets = [0, 0], sizes = [2, 256], strides = [1, 1]} : vector<6x256xf32> to vector<2x256xf32>
      %concatenate3A_1004 = tpu.concatenate %slice3A_1002, %slice3A_1003 in 0 : vector<4x256xf32>, vector<2x256xf32> -> vector<6x256xf32>
      %slice3A_1005 = vector.extract_strided_slice %concatenate3A_748 {offsets = [0, 0], sizes = [2, 256], strides = [1, 1]} : vector<6x256xf32> to vector<2x256xf32>
      %slice3A_1006 = vector.extract_strided_slice %slice3A_920 {offsets = [2, 0], sizes = [2, 256], strides = [1, 1]} : vector<6x256xf32> to vector<2x256xf32>
      %slice3A_1007 = vector.extract_strided_slice %concatenate3A_748 {offsets = [4, 0], sizes = [2, 256], strides = [1, 1]} : vector<6x256xf32> to vector<2x256xf32>
      %concatenate3A_1008 = tpu.concatenate %slice3A_1005, %slice3A_1006, %slice3A_1007 in 0 : vector<2x256xf32>, vector<2x256xf32>, vector<2x256xf32> -> vector<6x256xf32>
      %slice3A_1009 = vector.extract_strided_slice %slice3A_920 {offsets = [4, 0], sizes = [2, 256], strides = [1, 1]} : vector<6x256xf32> to vector<2x256xf32>
      %concatenate3A_1010 = tpu.concatenate %slice3A_1009, %broadcast_in_dim3A_1001 in 0 : vector<2x256xf32>, vector<4x256xf32> -> vector<6x256xf32>
      %get3A_1011 = arith.index_cast %min3A_914 : i32 to index
      %get3A_1012 = arith.constant 0 : index
      %get3A_1013 = vector.load %arg23[%get3A_1011, %get3A_1012] : memref<512x1024xf32, #tpu.memory_space<vmem>>, vector<1x1024xf32>
      %get3A_1014 = arith.constant 0 : index
      %get3A_1015 = arith.constant 0 : index
      %get3A_1016 = vector.load %arg4[%get3A_1014, %get3A_1015] : memref<256x1024xbf16, #tpu.memory_space<vmem>>, vector<256x1024xbf16>
      %convert_element_type3A_1017 = arith.truncf %mul3A_964 : vector<1x256xf32> to vector<1x256xbf16>
      %dot_general3A_1018 = arith.constant dense<0.000000e+00> : vector<1x1024xf32>
      %dot_general3A_1019 = tpu.matmul %convert_element_type3A_1017, %get3A_1016, %dot_general3A_1018 {dimension_numbers = #tpu.dot_dimension_numbers<[1], [0], [0], [1], [0, 0, 1, 1], [], []>, transpose_lhs_hint = false} : vector<1x256xbf16>, vector<256x1024xbf16>, vector<1x1024xf32> -> vector<1x1024xf32>
      %add3A_1020 = arith.addf %get3A_1013, %dot_general3A_1019 : vector<1x1024xf32>
      %get3A_1021 = arith.index_cast %min3A_914 : i32 to index
      %get3A_1022 = arith.constant 0 : index
      %get3A_1023 = vector.load %arg24[%get3A_1021, %get3A_1022] : memref<512x256xf32, #tpu.memory_space<vmem>>, vector<1x256xf32>
      %slice3A_1024 = vector.extract_strided_slice %concatenate3A_735 {offsets = [0, 0], sizes = [4, 256], strides = [1, 1]} : vector<6x256xf32> to vector<4x256xf32>
      %get3A_1025 = arith.constant 0 : index
      %get3A_1026 = arith.constant 0 : index
      %get3A_1027 = vector.load %arg8[%get3A_1025, %get3A_1026] : memref<256x256xbf16, #tpu.memory_space<vmem>>, vector<256x256xbf16>
      %convert_element_type3A_1028 = arith.truncf %slice3A_1024 : vector<4x256xf32> to vector<4x256xbf16>
      %dot_general3A_1029 = arith.constant dense<0.000000e+00> : vector<4x256xf32>
      %dot_general3A_1030 = tpu.matmul %convert_element_type3A_1028, %get3A_1027, %dot_general3A_1029 {dimension_numbers = #tpu.dot_dimension_numbers<[1], [0], [0], [1], [0, 0, 1, 1], [], []>, transpose_lhs_hint = false} : vector<4x256xbf16>, vector<256x256xbf16>, vector<4x256xf32> -> vector<4x256xf32>
      %get3A_1031 = arith.constant 0 : index
      %get3A_1032 = arith.constant 0 : index
      %get3A_1033 = vector.load %arg8[%get3A_1031, %get3A_1032] : memref<256x256xbf16, #tpu.memory_space<vmem>>, vector<256x256xbf16>
      %convert_element_type3A_1034 = arith.truncf %add3A_987 : vector<2x256xf32> to vector<2x256xbf16>
      %dot_general3A_1035 = arith.constant dense<0.000000e+00> : vector<2x256xf32>
      %dot_general3A_1036 = tpu.matmul %convert_element_type3A_1034, %get3A_1033, %dot_general3A_1035 {dimension_numbers = #tpu.dot_dimension_numbers<[1], [0], [0], [1], [0, 0, 1, 1], [], []>, transpose_lhs_hint = false} : vector<2x256xbf16>, vector<256x256xbf16>, vector<2x256xf32> -> vector<2x256xf32>
      %concatenate3A_1037 = tpu.concatenate %dot_general3A_1030, %dot_general3A_1036 in 0 : vector<4x256xf32>, vector<2x256xf32> -> vector<6x256xf32>
      %add3A_1038 = vector.broadcast %get3A_1023 : vector<1x256xf32> to vector<6x256xf32>
      %add3A_1039 = arith.addf %add3A_1038, %concatenate3A_1037 : vector<6x256xf32>
      %slice3A_1040 = vector.extract_strided_slice %get3A_642 {offsets = [4, 0], sizes = [6, 768], strides = [1, 1]} : vector<16x768xf32> to vector<6x768xf32>
      %slice3A_1041 = vector.extract_strided_slice %get3A_654 {offsets = [16, 0], sizes = [6, 256], strides = [1, 1]} : vector<32x256xf32> to vector<6x256xf32>
      %slice3A_1042 = vector.extract_strided_slice %add3A_879 {offsets = [0, 0], sizes = [1, 768], strides = [1, 1]} : vector<1x1024xf32> to vector<1x768xf32>
      %logistic3A_1043 = arith.negf %slice3A_1042 : vector<1x768xf32>
      %logistic3A_1044 = math.exp %logistic3A_1043 : vector<1x768xf32>
      %logistic3A_1045 = arith.constant 1.000000e+00 : f32
      %logistic3A_1046 = vector.broadcast %logistic3A_1045 : f32 to vector<1x768xf32>
      %logistic3A_1047 = arith.addf %logistic3A_1046, %logistic3A_1044 : vector<1x768xf32>
      %logistic3A_1048 = arith.divf %logistic3A_1046, %logistic3A_1047 : vector<1x768xf32>
      %slice3A_1049 = vector.extract_strided_slice %logistic3A_1048 {offsets = [0, 0], sizes = [1, 256], strides = [1, 1]} : vector<1x768xf32> to vector<1x256xf32>
      %slice3A_1050 = vector.extract_strided_slice %logistic3A_1048 {offsets = [0, 256], sizes = [1, 256], strides = [1, 1]} : vector<1x768xf32> to vector<1x256xf32>
      %slice3A_1051 = vector.extract_strided_slice %logistic3A_1048 {offsets = [0, 512], sizes = [1, 256], strides = [1, 1]} : vector<1x768xf32> to vector<1x256xf32>
      %slice3A_1052 = vector.extract_strided_slice %add3A_879 {offsets = [0, 768], sizes = [1, 256], strides = [1, 1]} : vector<1x1024xf32> to vector<1x256xf32>
      %tanh3A_1053 = math.tanh %slice3A_1052 : vector<1x256xf32>
      %logistic3A_1054 = arith.negf %add3A_898 : vector<6x256xf32>
      %logistic3A_1055 = math.exp %logistic3A_1054 : vector<6x256xf32>
      %logistic3A_1056 = arith.constant 1.000000e+00 : f32
      %logistic3A_1057 = vector.broadcast %logistic3A_1056 : f32 to vector<6x256xf32>
      %logistic3A_1058 = arith.addf %logistic3A_1057, %logistic3A_1055 : vector<6x256xf32>
      %logistic3A_1059 = arith.divf %logistic3A_1057, %logistic3A_1058 : vector<6x256xf32>
      %exp3A_1060 = math.exp %logistic3A_1059 : vector<6x256xf32>
      %mul3A_1061 = arith.mulf %concatenate3A_862, %exp3A_1060 : vector<6x256xf32>
      %exp3A_1062 = math.exp %slice3A_1049 : vector<1x256xf32>
      %reduce_sum3A_1063 = arith.constant dense<0.000000e+00> : vector<256xf32>
      %reduce_sum3A_1064 = vector.multi_reduction <add>, %mul3A_1061, %reduce_sum3A_1063 [0] : vector<6x256xf32> to vector<256xf32>
      %broadcast_in_dim3A_1065 = vector.shape_cast %reduce_sum3A_1064 : vector<256xf32> to vector<1x256xf32>
      %mul3A_1066 = arith.mulf %mul3A_1061, %concatenate3A_851 : vector<6x256xf32>
      %reduce_sum3A_1067 = arith.constant dense<0.000000e+00> : vector<256xf32>
      %reduce_sum3A_1068 = vector.multi_reduction <add>, %mul3A_1066, %reduce_sum3A_1067 [0] : vector<6x256xf32> to vector<256xf32>
      %broadcast_in_dim3A_1069 = vector.shape_cast %reduce_sum3A_1068 : vector<256xf32> to vector<1x256xf32>
      %reduce_max3A_1070 = arith.constant dense<0xFF800000> : vector<256xf32>
      %reduce_max3A_1071 = vector.multi_reduction <maximumf>, %concatenate3A_862, %reduce_max3A_1070 [0] : vector<6x256xf32> to vector<256xf32>
      %broadcast_in_dim3A_1072 = vector.shape_cast %reduce_max3A_1071 : vector<256xf32> to vector<1x256xf32>
      %mul3A_1073 = arith.mulf %exp3A_1062, %tanh3A_1053 : vector<1x256xf32>
      %add3A_1074 = arith.addf %mul3A_1073, %broadcast_in_dim3A_1069 : vector<1x256xf32>
      %add3A_1075 = arith.addf %exp3A_1062, %broadcast_in_dim3A_1065 : vector<1x256xf32>
      %div3A_1076 = arith.divf %add3A_1074, %add3A_1075 : vector<1x256xf32>
      %mul3A_1077 = arith.mulf %slice3A_1050, %select_n3A_821 : vector<1x256xf32>
      %mul3A_1078 = arith.mulf %slice3A_1049, %tanh3A_1053 : vector<1x256xf32>
      %add3A_1079 = arith.addf %mul3A_1077, %mul3A_1078 : vector<1x256xf32>
      %gt3A_1080 = arith.constant 5.000000e-01 : f32
      %gt3A_1081 = vector.broadcast %gt3A_1080 : f32 to vector<1x256xf32>
      %gt3A_1082 = arith.cmpf ogt, %broadcast_in_dim3A_1072, %gt3A_1081 : vector<1x256xf32>
      %select_n3A_1083 = arith.select %gt3A_1082, %div3A_1076, %add3A_1079 : vector<1x256xi1>, vector<1x256xf32>
      %tanh3A_1084 = math.tanh %select_n3A_1083 : vector<1x256xf32>
      %mul3A_1085 = arith.mulf %slice3A_1051, %tanh3A_1084 : vector<1x256xf32>
      %get3A_1086 = arith.constant 0 : index
      %get3A_1087 = arith.constant 0 : index
      %get3A_1088 = vector.load %arg11[%get3A_1086, %get3A_1087] : memref<256x768xbf16, #tpu.memory_space<vmem>>, vector<256x768xbf16>
      %convert_element_type3A_1089 = arith.truncf %mul3A_1085 : vector<1x256xf32> to vector<1x256xbf16>
      %dot_general3A_1090 = arith.constant dense<0.000000e+00> : vector<1x768xf32>
      %dot_general3A_1091 = tpu.matmul %convert_element_type3A_1089, %get3A_1088, %dot_general3A_1090 {dimension_numbers = #tpu.dot_dimension_numbers<[1], [0], [0], [1], [0, 0, 1, 1], [], []>, transpose_lhs_hint = false} : vector<1x256xbf16>, vector<256x768xbf16>, vector<1x768xf32> -> vector<1x768xf32>
      %add3A_1092 = vector.broadcast %dot_general3A_1091 : vector<1x768xf32> to vector<6x768xf32>
      %add3A_1093 = arith.addf %slice3A_1040, %add3A_1092 : vector<6x768xf32>
      %slice3A_1094 = vector.extract_strided_slice %add3A_1093 {offsets = [0, 0], sizes = [6, 512], strides = [1, 1]} : vector<6x768xf32> to vector<6x512xf32>
      %logistic3A_1095 = arith.negf %slice3A_1094 : vector<6x512xf32>
      %logistic3A_1096 = math.exp %logistic3A_1095 : vector<6x512xf32>
      %logistic3A_1097 = arith.constant 1.000000e+00 : f32
      %logistic3A_1098 = vector.broadcast %logistic3A_1097 : f32 to vector<6x512xf32>
      %logistic3A_1099 = arith.addf %logistic3A_1098, %logistic3A_1096 : vector<6x512xf32>
      %logistic3A_1100 = arith.divf %logistic3A_1098, %logistic3A_1099 : vector<6x512xf32>
      %slice3A_1101 = vector.extract_strided_slice %logistic3A_1100 {offsets = [0, 0], sizes = [6, 256], strides = [1, 1]} : vector<6x512xf32> to vector<6x256xf32>
      %slice3A_1102 = vector.extract_strided_slice %logistic3A_1100 {offsets = [0, 256], sizes = [6, 256], strides = [1, 1]} : vector<6x512xf32> to vector<6x256xf32>
      %slice3A_1103 = vector.extract_strided_slice %add3A_1093 {offsets = [0, 512], sizes = [6, 256], strides = [1, 1]} : vector<6x768xf32> to vector<6x256xf32>
      %tanh3A_1104 = math.tanh %slice3A_1103 : vector<6x256xf32>
      %mul3A_1105 = vector.broadcast %select_n3A_1083 : vector<1x256xf32> to vector<6x256xf32>
      %mul3A_1106 = arith.mulf %slice3A_1102, %mul3A_1105 : vector<6x256xf32>
      %mul3A_1107 = arith.mulf %slice3A_1101, %tanh3A_1104 : vector<6x256xf32>
      %add3A_1108 = arith.addf %mul3A_1106, %mul3A_1107 : vector<6x256xf32>
      %broadcast_in_dim3A_1109 = arith.constant 0.000000e+00 : f32
      %broadcast_in_dim3A_1110 = vector.broadcast %broadcast_in_dim3A_1109 : f32 to vector<4x256xf32>
      %slice3A_1111 = vector.extract_strided_slice %concatenate3A_855 {offsets = [0, 0], sizes = [4, 256], strides = [1, 1]} : vector<6x256xf32> to vector<4x256xf32>
      %slice3A_1112 = vector.extract_strided_slice %add3A_1108 {offsets = [4, 0], sizes = [2, 256], strides = [1, 1]} : vector<6x256xf32> to vector<2x256xf32>
      %concatenate3A_1113 = tpu.concatenate %slice3A_1111, %slice3A_1112 in 0 : vector<4x256xf32>, vector<2x256xf32> -> vector<6x256xf32>
      %slice3A_1114 = vector.extract_strided_slice %concatenate3A_857 {offsets = [0, 0], sizes = [2, 256], strides = [1, 1]} : vector<6x256xf32> to vector<2x256xf32>
      %slice3A_1115 = vector.extract_strided_slice %add3A_1108 {offsets = [2, 0], sizes = [2, 256], strides = [1, 1]} : vector<6x256xf32> to vector<2x256xf32>
      %slice3A_1116 = vector.extract_strided_slice %concatenate3A_857 {offsets = [4, 0], sizes = [2, 256], strides = [1, 1]} : vector<6x256xf32> to vector<2x256xf32>
      %concatenate3A_1117 = tpu.concatenate %slice3A_1114, %slice3A_1115, %slice3A_1116 in 0 : vector<2x256xf32>, vector<2x256xf32>, vector<2x256xf32> -> vector<6x256xf32>
      %slice3A_1118 = vector.extract_strided_slice %add3A_1108 {offsets = [0, 0], sizes = [2, 256], strides = [1, 1]} : vector<6x256xf32> to vector<2x256xf32>
      %concatenate3A_1119 = tpu.concatenate %slice3A_1118, %broadcast_in_dim3A_1110 in 0 : vector<2x256xf32>, vector<4x256xf32> -> vector<6x256xf32>
      %broadcast_in_dim3A_1120 = arith.constant 0.000000e+00 : f32
      %broadcast_in_dim3A_1121 = vector.broadcast %broadcast_in_dim3A_1120 : f32 to vector<4x256xf32>
      %slice3A_1122 = vector.extract_strided_slice %concatenate3A_866 {offsets = [0, 0], sizes = [4, 256], strides = [1, 1]} : vector<6x256xf32> to vector<4x256xf32>
      %slice3A_1123 = vector.extract_strided_slice %slice3A_1041 {offsets = [4, 0], sizes = [2, 256], strides = [1, 1]} : vector<6x256xf32> to vector<2x256xf32>
      %concatenate3A_1124 = tpu.concatenate %slice3A_1122, %slice3A_1123 in 0 : vector<4x256xf32>, vector<2x256xf32> -> vector<6x256xf32>
      %slice3A_1125 = vector.extract_strided_slice %concatenate3A_868 {offsets = [0, 0], sizes = [2, 256], strides = [1, 1]} : vector<6x256xf32> to vector<2x256xf32>
      %slice3A_1126 = vector.extract_strided_slice %slice3A_1041 {offsets = [2, 0], sizes = [2, 256], strides = [1, 1]} : vector<6x256xf32> to vector<2x256xf32>
      %slice3A_1127 = vector.extract_strided_slice %concatenate3A_868 {offsets = [4, 0], sizes = [2, 256], strides = [1, 1]} : vector<6x256xf32> to vector<2x256xf32>
      %concatenate3A_1128 = tpu.concatenate %slice3A_1125, %slice3A_1126, %slice3A_1127 in 0 : vector<2x256xf32>, vector<2x256xf32>, vector<2x256xf32> -> vector<6x256xf32>
      %slice3A_1129 = vector.extract_strided_slice %slice3A_1041 {offsets = [0, 0], sizes = [2, 256], strides = [1, 1]} : vector<6x256xf32> to vector<2x256xf32>
      %concatenate3A_1130 = tpu.concatenate %slice3A_1129, %broadcast_in_dim3A_1121 in 0 : vector<2x256xf32>, vector<4x256xf32> -> vector<6x256xf32>
      %slice3A_1131 = vector.extract_strided_slice %add3A_1108 {offsets = [4, 0], sizes = [2, 256], strides = [1, 1]} : vector<6x256xf32> to vector<2x256xf32>
      %get3A_1132 = arith.index_cast %max3A_918 : i32 to index
      %get3A_1133 = arith.constant 0 : index
      %get3A_1134 = vector.load %arg25[%get3A_1132, %get3A_1133] : memref<512x1024xf32, #tpu.memory_space<vmem>>, vector<1x1024xf32>
      %get3A_1135 = arith.constant 0 : index
      %get3A_1136 = arith.constant 0 : index
      %get3A_1137 = vector.load %arg9[%get3A_1135, %get3A_1136] : memref<256x1024xbf16, #tpu.memory_space<vmem>>, vector<256x1024xbf16>
      %convert_element_type3A_1138 = arith.truncf %mul3A_1085 : vector<1x256xf32> to vector<1x256xbf16>
      %dot_general3A_1139 = arith.constant dense<0.000000e+00> : vector<1x1024xf32>
      %dot_general3A_1140 = tpu.matmul %convert_element_type3A_1138, %get3A_1137, %dot_general3A_1139 {dimension_numbers = #tpu.dot_dimension_numbers<[1], [0], [0], [1], [0, 0, 1, 1], [], []>, transpose_lhs_hint = false} : vector<1x256xbf16>, vector<256x1024xbf16>, vector<1x1024xf32> -> vector<1x1024xf32>
      %add3A_1141 = arith.addf %get3A_1134, %dot_general3A_1140 : vector<1x1024xf32>
      %get3A_1142 = arith.index_cast %max3A_918 : i32 to index
      %get3A_1143 = arith.constant 0 : index
      %get3A_1144 = vector.load %arg26[%get3A_1142, %get3A_1143] : memref<512x256xf32, #tpu.memory_space<vmem>>, vector<1x256xf32>
      %slice3A_1145 = vector.extract_strided_slice %concatenate3A_855 {offsets = [0, 0], sizes = [4, 256], strides = [1, 1]} : vector<6x256xf32> to vector<4x256xf32>
      %get3A_1146 = arith.constant 0 : index
      %get3A_1147 = arith.constant 0 : index
      %get3A_1148 = vector.load %arg13[%get3A_1146, %get3A_1147] : memref<256x256xbf16, #tpu.memory_space<vmem>>, vector<256x256xbf16>
      %convert_element_type3A_1149 = arith.truncf %slice3A_1145 : vector<4x256xf32> to vector<4x256xbf16>
      %dot_general3A_1150 = arith.constant dense<0.000000e+00> : vector<4x256xf32>
      %dot_general3A_1151 = tpu.matmul %convert_element_type3A_1149, %get3A_1148, %dot_general3A_1150 {dimension_numbers = #tpu.dot_dimension_numbers<[1], [0], [0], [1], [0, 0, 1, 1], [], []>, transpose_lhs_hint = false} : vector<4x256xbf16>, vector<256x256xbf16>, vector<4x256xf32> -> vector<4x256xf32>
      %get3A_1152 = arith.constant 0 : index
      %get3A_1153 = arith.constant 0 : index
      %get3A_1154 = vector.load %arg13[%get3A_1152, %get3A_1153] : memref<256x256xbf16, #tpu.memory_space<vmem>>, vector<256x256xbf16>
      %convert_element_type3A_1155 = arith.truncf %slice3A_1131 : vector<2x256xf32> to vector<2x256xbf16>
      %dot_general3A_1156 = arith.constant dense<0.000000e+00> : vector<2x256xf32>
      %dot_general3A_1157 = tpu.matmul %convert_element_type3A_1155, %get3A_1154, %dot_general3A_1156 {dimension_numbers = #tpu.dot_dimension_numbers<[1], [0], [0], [1], [0, 0, 1, 1], [], []>, transpose_lhs_hint = false} : vector<2x256xbf16>, vector<256x256xbf16>, vector<2x256xf32> -> vector<2x256xf32>
      %concatenate3A_1158 = tpu.concatenate %dot_general3A_1151, %dot_general3A_1157 in 0 : vector<4x256xf32>, vector<2x256xf32> -> vector<6x256xf32>
      %add3A_1159 = vector.broadcast %get3A_1144 : vector<1x256xf32> to vector<6x256xf32>
      %add3A_1160 = arith.addf %add3A_1159, %concatenate3A_1158 : vector<6x256xf32>
      %swap3A_1161 = arith.index_cast %add3A_908 : i32 to index
      %swap3A_1162 = arith.constant 0 : index
      %swap3A_1163 = vector.load %arg22[%swap3A_1161, %swap3A_1162] : memref<512x512xf32, #tpu.memory_space<vmem>>, vector<1x256xf32>
      tpu.vector_store %arg22[%swap3A_1161, %swap3A_1162], %mul3A_964 {strides = array<i32>} : memref<512x512xf32, #tpu.memory_space<vmem>>, vector<1x256xf32>,
      %swap3A_1164 = arith.index_cast %sub3A_910 : i32 to index
      %swap3A_1165 = arith.constant 256 : index
      %swap3A_1166 = vector.load %arg22[%swap3A_1164, %swap3A_1165] : memref<512x512xf32, #tpu.memory_space<vmem>>, vector<1x256xf32>
      tpu.vector_store %arg22[%swap3A_1164, %swap3A_1165], %mul3A_1085 {strides = array<i32>} : memref<512x512xf32, #tpu.memory_space<vmem>>, vector<1x256xf32>,
      %mul3A_1167 = arith.constant 4 : i32
      %mul3A_1168 = arith.muli %mul3A_1167, %scan3A_614 : i32
      %add3A_1169 = arith.constant 2 : i32
      %add3A_1170 = arith.addi %mul3A_1168, %add3A_1169 : i32
      %sub3A_1171 = arith.constant 511 : i32
      %sub3A_1172 = arith.subi %sub3A_1171, %add3A_1170 : i32
      %add3A_1173 = arith.constant 1 : i32
      %add3A_1174 = arith.addi %add3A_1170, %add3A_1173 : i32
      %min3A_1175 = arith.constant 511 : i32
      %min3A_1176 = arith.minsi %add3A_1174, %min3A_1175 : i32
      %sub3A_1177 = arith.constant 1 : i32
      %sub3A_1178 = arith.subi %sub3A_1172, %sub3A_1177 : i32
      %max3A_1179 = arith.constant 0 : i32
      %max3A_1180 = arith.maxsi %sub3A_1178, %max3A_1179 : i32
      %slice3A_1181 = vector.extract_strided_slice %get3A_636 {offsets = [10, 0], sizes = [2, 768], strides = [1, 1]} : vector<16x768xf32> to vector<2x768xf32>
      %slice3A_1182 = vector.extract_strided_slice %get3A_647 {offsets = [16, 0], sizes = [6, 256], strides = [1, 1]} : vector<32x256xf32> to vector<6x256xf32>
      %slice3A_1183 = vector.extract_strided_slice %add3A_1020 {offsets = [0, 0], sizes = [1, 768], strides = [1, 1]} : vector<1x1024xf32> to vector<1x768xf32>
      %logistic3A_1184 = arith.negf %slice3A_1183 : vector<1x768xf32>
      %logistic3A_1185 = math.exp %logistic3A_1184 : vector<1x768xf32>
      %logistic3A_1186 = arith.constant 1.000000e+00 : f32
      %logistic3A_1187 = vector.broadcast %logistic3A_1186 : f32 to vector<1x768xf32>
      %logistic3A_1188 = arith.addf %logistic3A_1187, %logistic3A_1185 : vector<1x768xf32>
      %logistic3A_1189 = arith.divf %logistic3A_1187, %logistic3A_1188 : vector<1x768xf32>
      %slice3A_1190 = vector.extract_strided_slice %logistic3A_1189 {offsets = [0, 0], sizes = [1, 256], strides = [1, 1]} : vector<1x768xf32> to vector<1x256xf32>
      %slice3A_1191 = vector.extract_strided_slice %logistic3A_1189 {offsets = [0, 256], sizes = [1, 256], strides = [1, 1]} : vector<1x768xf32> to vector<1x256xf32>
      %slice3A_1192 = vector.extract_strided_slice %logistic3A_1189 {offsets = [0, 512], sizes = [1, 256], strides = [1, 1]} : vector<1x768xf32> to vector<1x256xf32>
      %slice3A_1193 = vector.extract_strided_slice %add3A_1020 {offsets = [0, 768], sizes = [1, 256], strides = [1, 1]} : vector<1x1024xf32> to vector<1x256xf32>
      %tanh3A_1194 = math.tanh %slice3A_1193 : vector<1x256xf32>
      %logistic3A_1195 = arith.negf %add3A_1039 : vector<6x256xf32>
      %logistic3A_1196 = math.exp %logistic3A_1195 : vector<6x256xf32>
      %logistic3A_1197 = arith.constant 1.000000e+00 : f32
      %logistic3A_1198 = vector.broadcast %logistic3A_1197 : f32 to vector<6x256xf32>
      %logistic3A_1199 = arith.addf %logistic3A_1198, %logistic3A_1196 : vector<6x256xf32>
      %logistic3A_1200 = arith.divf %logistic3A_1198, %logistic3A_1199 : vector<6x256xf32>
      %exp3A_1201 = math.exp %logistic3A_1200 : vector<6x256xf32>
      %mul3A_1202 = arith.mulf %concatenate3A_1004, %exp3A_1201 : vector<6x256xf32>
      %exp3A_1203 = math.exp %slice3A_1190 : vector<1x256xf32>
      %reduce_sum3A_1204 = arith.constant dense<0.000000e+00> : vector<256xf32>
      %reduce_sum3A_1205 = vector.multi_reduction <add>, %mul3A_1202, %reduce_sum3A_1204 [0] : vector<6x256xf32> to vector<256xf32>
      %broadcast_in_dim3A_1206 = vector.shape_cast %reduce_sum3A_1205 : vector<256xf32> to vector<1x256xf32>
      %mul3A_1207 = arith.mulf %mul3A_1202, %concatenate3A_993 : vector<6x256xf32>
      %reduce_sum3A_1208 = arith.constant dense<0.000000e+00> : vector<256xf32>
      %reduce_sum3A_1209 = vector.multi_reduction <add>, %mul3A_1207, %reduce_sum3A_1208 [0] : vector<6x256xf32> to vector<256xf32>
      %broadcast_in_dim3A_1210 = vector.shape_cast %reduce_sum3A_1209 : vector<256xf32> to vector<1x256xf32>
      %reduce_max3A_1211 = arith.constant dense<0xFF800000> : vector<256xf32>
      %reduce_max3A_1212 = vector.multi_reduction <maximumf>, %concatenate3A_1004, %reduce_max3A_1211 [0] : vector<6x256xf32> to vector<256xf32>
      %broadcast_in_dim3A_1213 = vector.shape_cast %reduce_max3A_1212 : vector<256xf32> to vector<1x256xf32>
      %mul3A_1214 = arith.mulf %exp3A_1203, %tanh3A_1194 : vector<1x256xf32>
      %add3A_1215 = arith.addf %mul3A_1214, %broadcast_in_dim3A_1210 : vector<1x256xf32>
      %add3A_1216 = arith.addf %exp3A_1203, %broadcast_in_dim3A_1206 : vector<1x256xf32>
      %div3A_1217 = arith.divf %add3A_1215, %add3A_1216 : vector<1x256xf32>
      %mul3A_1218 = arith.mulf %slice3A_1191, %select_n3A_962 : vector<1x256xf32>
      %mul3A_1219 = arith.mulf %slice3A_1190, %tanh3A_1194 : vector<1x256xf32>
      %add3A_1220 = arith.addf %mul3A_1218, %mul3A_1219 : vector<1x256xf32>
      %gt3A_1221 = arith.constant 5.000000e-01 : f32
      %gt3A_1222 = vector.broadcast %gt3A_1221 : f32 to vector<1x256xf32>
      %gt3A_1223 = arith.cmpf ogt, %broadcast_in_dim3A_1213, %gt3A_1222 : vector<1x256xf32>
      %select_n3A_1224 = arith.select %gt3A_1223, %div3A_1217, %add3A_1220 : vector<1x256xi1>, vector<1x256xf32>
      %tanh3A_1225 = math.tanh %select_n3A_1224 : vector<1x256xf32>
      %mul3A_1226 = arith.mulf %slice3A_1192, %tanh3A_1225 : vector<1x256xf32>
      %get3A_1227 = arith.constant 0 : index
      %get3A_1228 = arith.constant 0 : index
      %get3A_1229 = vector.load %arg6[%get3A_1227, %get3A_1228] : memref<256x768xbf16, #tpu.memory_space<vmem>>, vector<256x768xbf16>
      %convert_element_type3A_1230 = arith.truncf %mul3A_1226 : vector<1x256xf32> to vector<1x256xbf16>
      %dot_general3A_1231 = arith.constant dense<0.000000e+00> : vector<1x768xf32>
      %dot_general3A_1232 = tpu.matmul %convert_element_type3A_1230, %get3A_1229, %dot_general3A_1231 {dimension_numbers = #tpu.dot_dimension_numbers<[1], [0], [0], [1], [0, 0, 1, 1], [], []>, transpose_lhs_hint = false} : vector<1x256xbf16>, vector<256x768xbf16>, vector<1x768xf32> -> vector<1x768xf32>
      %add3A_1233 = vector.broadcast %dot_general3A_1232 : vector<1x768xf32> to vector<2x768xf32>
      %add3A_1234 = arith.addf %slice3A_1181, %add3A_1233 : vector<2x768xf32>
      %slice3A_1235 = vector.extract_strided_slice %add3A_1234 {offsets = [0, 0], sizes = [2, 512], strides = [1, 1]} : vector<2x768xf32> to vector<2x512xf32>
      %logistic3A_1236 = arith.negf %slice3A_1235 : vector<2x512xf32>
      %logistic3A_1237 = math.exp %logistic3A_1236 : vector<2x512xf32>
      %logistic3A_1238 = arith.constant 1.000000e+00 : f32
      %logistic3A_1239 = vector.broadcast %logistic3A_1238 : f32 to vector<2x512xf32>
      %logistic3A_1240 = arith.addf %logistic3A_1239, %logistic3A_1237 : vector<2x512xf32>
      %logistic3A_1241 = arith.divf %logistic3A_1239, %logistic3A_1240 : vector<2x512xf32>
      %slice3A_1242 = vector.extract_strided_slice %logistic3A_1241 {offsets = [0, 0], sizes = [2, 256], strides = [1, 1]} : vector<2x512xf32> to vector<2x256xf32>
      %slice3A_1243 = vector.extract_strided_slice %logistic3A_1241 {offsets = [0, 256], sizes = [2, 256], strides = [1, 1]} : vector<2x512xf32> to vector<2x256xf32>
      %slice3A_1244 = vector.extract_strided_slice %add3A_1234 {offsets = [0, 512], sizes = [2, 256], strides = [1, 1]} : vector<2x768xf32> to vector<2x256xf32>
      %tanh3A_1245 = math.tanh %slice3A_1244 : vector<2x256xf32>
      %mul3A_1246 = vector.broadcast %select_n3A_1224 : vector<1x256xf32> to vector<2x256xf32>
      %mul3A_1247 = arith.mulf %slice3A_1243, %mul3A_1246 : vector<2x256xf32>
      %mul3A_1248 = arith.mulf %slice3A_1242, %tanh3A_1245 : vector<2x256xf32>
      %add3A_1249 = arith.addf %mul3A_1247, %mul3A_1248 : vector<2x256xf32>
      %concatenate3A_1250 = tpu.concatenate %add3A_1249, %add3A_1249, %add3A_1249 in 0 : vector<2x256xf32>, vector<2x256xf32>, vector<2x256xf32> -> vector<6x256xf32>
      %broadcast_in_dim3A_1251 = arith.constant 0.000000e+00 : f32
      %broadcast_in_dim3A_1252 = vector.broadcast %broadcast_in_dim3A_1251 : f32 to vector<4x256xf32>
      %slice3A_1253 = vector.extract_strided_slice %concatenate3A_997 {offsets = [0, 0], sizes = [4, 256], strides = [1, 1]} : vector<6x256xf32> to vector<4x256xf32>
      %slice3A_1254 = vector.extract_strided_slice %concatenate3A_1250 {offsets = [0, 0], sizes = [2, 256], strides = [1, 1]} : vector<6x256xf32> to vector<2x256xf32>
      %concatenate3A_1255 = tpu.concatenate %slice3A_1253, %slice3A_1254 in 0 : vector<4x256xf32>, vector<2x256xf32> -> vector<6x256xf32>
      %slice3A_1256 = vector.extract_strided_slice %concatenate3A_999 {offsets = [0, 0], sizes = [2, 256], strides = [1, 1]} : vector<6x256xf32> to vector<2x256xf32>
      %slice3A_1257 = vector.extract_strided_slice %concatenate3A_1250 {offsets = [2, 0], sizes = [2, 256], strides = [1, 1]} : vector<6x256xf32> to vector<2x256xf32>
      %slice3A_1258 = vector.extract_strided_slice %concatenate3A_999 {offsets = [4, 0], sizes = [2, 256], strides = [1, 1]} : vector<6x256xf32> to vector<2x256xf32>
      %concatenate3A_1259 = tpu.concatenate %slice3A_1256, %slice3A_1257, %slice3A_1258 in 0 : vector<2x256xf32>, vector<2x256xf32>, vector<2x256xf32> -> vector<6x256xf32>
      %slice3A_1260 = vector.extract_strided_slice %concatenate3A_1250 {offsets = [4, 0], sizes = [2, 256], strides = [1, 1]} : vector<6x256xf32> to vector<2x256xf32>
      %concatenate3A_1261 = tpu.concatenate %slice3A_1260, %broadcast_in_dim3A_1252 in 0 : vector<2x256xf32>, vector<4x256xf32> -> vector<6x256xf32>
      %broadcast_in_dim3A_1262 = arith.constant 0.000000e+00 : f32
      %broadcast_in_dim3A_1263 = vector.broadcast %broadcast_in_dim3A_1262 : f32 to vector<4x256xf32>
      %slice3A_1264 = vector.extract_strided_slice %concatenate3A_1008 {offsets = [0, 0], sizes = [4, 256], strides = [1, 1]} : vector<6x256xf32> to vector<4x256xf32>
      %slice3A_1265 = vector.extract_strided_slice %slice3A_1182 {offsets = [0, 0], sizes = [2, 256], strides = [1, 1]} : vector<6x256xf32> to vector<2x256xf32>
      %concatenate3A_1266 = tpu.concatenate %slice3A_1264, %slice3A_1265 in 0 : vector<4x256xf32>, vector<2x256xf32> -> vector<6x256xf32>
      %slice3A_1267 = vector.extract_strided_slice %concatenate3A_1010 {offsets = [0, 0], sizes = [2, 256], strides = [1, 1]} : vector<6x256xf32> to vector<2x256xf32>
      %slice3A_1268 = vector.extract_strided_slice %slice3A_1182 {offsets = [2, 0], sizes = [2, 256], strides = [1, 1]} : vector<6x256xf32> to vector<2x256xf32>
      %slice3A_1269 = vector.extract_strided_slice %concatenate3A_1010 {offsets = [4, 0], sizes = [2, 256], strides = [1, 1]} : vector<6x256xf32> to vector<2x256xf32>
      %concatenate3A_1270 = tpu.concatenate %slice3A_1267, %slice3A_1268, %slice3A_1269 in 0 : vector<2x256xf32>, vector<2x256xf32>, vector<2x256xf32> -> vector<6x256xf32>
      %slice3A_1271 = vector.extract_strided_slice %slice3A_1182 {offsets = [4, 0], sizes = [2, 256], strides = [1, 1]} : vector<6x256xf32> to vector<2x256xf32>
      %concatenate3A_1272 = tpu.concatenate %slice3A_1271, %broadcast_in_dim3A_1263 in 0 : vector<2x256xf32>, vector<4x256xf32> -> vector<6x256xf32>
      %get3A_1273 = arith.index_cast %min3A_1176 : i32 to index
      %get3A_1274 = arith.constant 0 : index
      %get3A_1275 = vector.load %arg23[%get3A_1273, %get3A_1274] : memref<512x1024xf32, #tpu.memory_space<vmem>>, vector<1x1024xf32>
      %get3A_1276 = arith.constant 0 : index
      %get3A_1277 = arith.constant 0 : index
      %get3A_1278 = vector.load %arg4[%get3A_1276, %get3A_1277] : memref<256x1024xbf16, #tpu.memory_space<vmem>>, vector<256x1024xbf16>
      %convert_element_type3A_1279 = arith.truncf %mul3A_1226 : vector<1x256xf32> to vector<1x256xbf16>
      %dot_general3A_1280 = arith.constant dense<0.000000e+00> : vector<1x1024xf32>
      %dot_general3A_1281 = tpu.matmul %convert_element_type3A_1279, %get3A_1278, %dot_general3A_1280 {dimension_numbers = #tpu.dot_dimension_numbers<[1], [0], [0], [1], [0, 0, 1, 1], [], []>, transpose_lhs_hint = false} : vector<1x256xbf16>, vector<256x1024xbf16>, vector<1x1024xf32> -> vector<1x1024xf32>
      %add3A_1282 = arith.addf %get3A_1275, %dot_general3A_1281 : vector<1x1024xf32>
      %get3A_1283 = arith.index_cast %min3A_1176 : i32 to index
      %get3A_1284 = arith.constant 0 : index
      %get3A_1285 = vector.load %arg24[%get3A_1283, %get3A_1284] : memref<512x256xf32, #tpu.memory_space<vmem>>, vector<1x256xf32>
      %slice3A_1286 = vector.extract_strided_slice %concatenate3A_997 {offsets = [0, 0], sizes = [4, 256], strides = [1, 1]} : vector<6x256xf32> to vector<4x256xf32>
      %get3A_1287 = arith.constant 0 : index
      %get3A_1288 = arith.constant 0 : index
      %get3A_1289 = vector.load %arg8[%get3A_1287, %get3A_1288] : memref<256x256xbf16, #tpu.memory_space<vmem>>, vector<256x256xbf16>
      %convert_element_type3A_1290 = arith.truncf %slice3A_1286 : vector<4x256xf32> to vector<4x256xbf16>
      %dot_general3A_1291 = arith.constant dense<0.000000e+00> : vector<4x256xf32>
      %dot_general3A_1292 = tpu.matmul %convert_element_type3A_1290, %get3A_1289, %dot_general3A_1291 {dimension_numbers = #tpu.dot_dimension_numbers<[1], [0], [0], [1], [0, 0, 1, 1], [], []>, transpose_lhs_hint = false} : vector<4x256xbf16>, vector<256x256xbf16>, vector<4x256xf32> -> vector<4x256xf32>
      %get3A_1293 = arith.constant 0 : index
      %get3A_1294 = arith.constant 0 : index
      %get3A_1295 = vector.load %arg8[%get3A_1293, %get3A_1294] : memref<256x256xbf16, #tpu.memory_space<vmem>>, vector<256x256xbf16>
      %convert_element_type3A_1296 = arith.truncf %add3A_1249 : vector<2x256xf32> to vector<2x256xbf16>
      %dot_general3A_1297 = arith.constant dense<0.000000e+00> : vector<2x256xf32>
      %dot_general3A_1298 = tpu.matmul %convert_element_type3A_1296, %get3A_1295, %dot_general3A_1297 {dimension_numbers = #tpu.dot_dimension_numbers<[1], [0], [0], [1], [0, 0, 1, 1], [], []>, transpose_lhs_hint = false} : vector<2x256xbf16>, vector<256x256xbf16>, vector<2x256xf32> -> vector<2x256xf32>
      %concatenate3A_1299 = tpu.concatenate %dot_general3A_1292, %dot_general3A_1298 in 0 : vector<4x256xf32>, vector<2x256xf32> -> vector<6x256xf32>
      %add3A_1300 = vector.broadcast %get3A_1285 : vector<1x256xf32> to vector<6x256xf32>
      %add3A_1301 = arith.addf %add3A_1300, %concatenate3A_1299 : vector<6x256xf32>
      %slice3A_1302 = vector.extract_strided_slice %get3A_642 {offsets = [2, 0], sizes = [6, 768], strides = [1, 1]} : vector<16x768xf32> to vector<6x768xf32>
      %slice3A_1303 = vector.extract_strided_slice %get3A_654 {offsets = [8, 0], sizes = [6, 256], strides = [1, 1]} : vector<32x256xf32> to vector<6x256xf32>
      %slice3A_1304 = vector.extract_strided_slice %add3A_1141 {offsets = [0, 0], sizes = [1, 768], strides = [1, 1]} : vector<1x1024xf32> to vector<1x768xf32>
      %logistic3A_1305 = arith.negf %slice3A_1304 : vector<1x768xf32>
      %logistic3A_1306 = math.exp %logistic3A_1305 : vector<1x768xf32>
      %logistic3A_1307 = arith.constant 1.000000e+00 : f32
      %logistic3A_1308 = vector.broadcast %logistic3A_1307 : f32 to vector<1x768xf32>
      %logistic3A_1309 = arith.addf %logistic3A_1308, %logistic3A_1306 : vector<1x768xf32>
      %logistic3A_1310 = arith.divf %logistic3A_1308, %logistic3A_1309 : vector<1x768xf32>
      %slice3A_1311 = vector.extract_strided_slice %logistic3A_1310 {offsets = [0, 0], sizes = [1, 256], strides = [1, 1]} : vector<1x768xf32> to vector<1x256xf32>
      %slice3A_1312 = vector.extract_strided_slice %logistic3A_1310 {offsets = [0, 256], sizes = [1, 256], strides = [1, 1]} : vector<1x768xf32> to vector<1x256xf32>
      %slice3A_1313 = vector.extract_strided_slice %logistic3A_1310 {offsets = [0, 512], sizes = [1, 256], strides = [1, 1]} : vector<1x768xf32> to vector<1x256xf32>
      %slice3A_1314 = vector.extract_strided_slice %add3A_1141 {offsets = [0, 768], sizes = [1, 256], strides = [1, 1]} : vector<1x1024xf32> to vector<1x256xf32>
      %tanh3A_1315 = math.tanh %slice3A_1314 : vector<1x256xf32>
      %logistic3A_1316 = arith.negf %add3A_1160 : vector<6x256xf32>
      %logistic3A_1317 = math.exp %logistic3A_1316 : vector<6x256xf32>
      %logistic3A_1318 = arith.constant 1.000000e+00 : f32
      %logistic3A_1319 = vector.broadcast %logistic3A_1318 : f32 to vector<6x256xf32>
      %logistic3A_1320 = arith.addf %logistic3A_1319, %logistic3A_1317 : vector<6x256xf32>
      %logistic3A_1321 = arith.divf %logistic3A_1319, %logistic3A_1320 : vector<6x256xf32>
      %exp3A_1322 = math.exp %logistic3A_1321 : vector<6x256xf32>
      %mul3A_1323 = arith.mulf %concatenate3A_1124, %exp3A_1322 : vector<6x256xf32>
      %exp3A_1324 = math.exp %slice3A_1311 : vector<1x256xf32>
      %reduce_sum3A_1325 = arith.constant dense<0.000000e+00> : vector<256xf32>
      %reduce_sum3A_1326 = vector.multi_reduction <add>, %mul3A_1323, %reduce_sum3A_1325 [0] : vector<6x256xf32> to vector<256xf32>
      %broadcast_in_dim3A_1327 = vector.shape_cast %reduce_sum3A_1326 : vector<256xf32> to vector<1x256xf32>
      %mul3A_1328 = arith.mulf %mul3A_1323, %concatenate3A_1113 : vector<6x256xf32>
      %reduce_sum3A_1329 = arith.constant dense<0.000000e+00> : vector<256xf32>
      %reduce_sum3A_1330 = vector.multi_reduction <add>, %mul3A_1328, %reduce_sum3A_1329 [0] : vector<6x256xf32> to vector<256xf32>
      %broadcast_in_dim3A_1331 = vector.shape_cast %reduce_sum3A_1330 : vector<256xf32> to vector<1x256xf32>
      %reduce_max3A_1332 = arith.constant dense<0xFF800000> : vector<256xf32>
      %reduce_max3A_1333 = vector.multi_reduction <maximumf>, %concatenate3A_1124, %reduce_max3A_1332 [0] : vector<6x256xf32> to vector<256xf32>
      %broadcast_in_dim3A_1334 = vector.shape_cast %reduce_max3A_1333 : vector<256xf32> to vector<1x256xf32>
      %mul3A_1335 = arith.mulf %exp3A_1324, %tanh3A_1315 : vector<1x256xf32>
      %add3A_1336 = arith.addf %mul3A_1335, %broadcast_in_dim3A_1331 : vector<1x256xf32>
      %add3A_1337 = arith.addf %exp3A_1324, %broadcast_in_dim3A_1327 : vector<1x256xf32>
      %div3A_1338 = arith.divf %add3A_1336, %add3A_1337 : vector<1x256xf32>
      %mul3A_1339 = arith.mulf %slice3A_1312, %select_n3A_1083 : vector<1x256xf32>
      %mul3A_1340 = arith.mulf %slice3A_1311, %tanh3A_1315 : vector<1x256xf32>
      %add3A_1341 = arith.addf %mul3A_1339, %mul3A_1340 : vector<1x256xf32>
      %gt3A_1342 = arith.constant 5.000000e-01 : f32
      %gt3A_1343 = vector.broadcast %gt3A_1342 : f32 to vector<1x256xf32>
      %gt3A_1344 = arith.cmpf ogt, %broadcast_in_dim3A_1334, %gt3A_1343 : vector<1x256xf32>
      %select_n3A_1345 = arith.select %gt3A_1344, %div3A_1338, %add3A_1341 : vector<1x256xi1>, vector<1x256xf32>
      %tanh3A_1346 = math.tanh %select_n3A_1345 : vector<1x256xf32>
      %mul3A_1347 = arith.mulf %slice3A_1313, %tanh3A_1346 : vector<1x256xf32>
      %get3A_1348 = arith.constant 0 : index
      %get3A_1349 = arith.constant 0 : index
      %get3A_1350 = vector.load %arg11[%get3A_1348, %get3A_1349] : memref<256x768xbf16, #tpu.memory_space<vmem>>, vector<256x768xbf16>
      %convert_element_type3A_1351 = arith.truncf %mul3A_1347 : vector<1x256xf32> to vector<1x256xbf16>
      %dot_general3A_1352 = arith.constant dense<0.000000e+00> : vector<1x768xf32>
      %dot_general3A_1353 = tpu.matmul %convert_element_type3A_1351, %get3A_1350, %dot_general3A_1352 {dimension_numbers = #tpu.dot_dimension_numbers<[1], [0], [0], [1], [0, 0, 1, 1], [], []>, transpose_lhs_hint = false} : vector<1x256xbf16>, vector<256x768xbf16>, vector<1x768xf32> -> vector<1x768xf32>
      %add3A_1354 = vector.broadcast %dot_general3A_1353 : vector<1x768xf32> to vector<6x768xf32>
      %add3A_1355 = arith.addf %slice3A_1302, %add3A_1354 : vector<6x768xf32>
      %slice3A_1356 = vector.extract_strided_slice %add3A_1355 {offsets = [0, 0], sizes = [6, 512], strides = [1, 1]} : vector<6x768xf32> to vector<6x512xf32>
      %logistic3A_1357 = arith.negf %slice3A_1356 : vector<6x512xf32>
      %logistic3A_1358 = math.exp %logistic3A_1357 : vector<6x512xf32>
      %logistic3A_1359 = arith.constant 1.000000e+00 : f32
      %logistic3A_1360 = vector.broadcast %logistic3A_1359 : f32 to vector<6x512xf32>
      %logistic3A_1361 = arith.addf %logistic3A_1360, %logistic3A_1358 : vector<6x512xf32>
      %logistic3A_1362 = arith.divf %logistic3A_1360, %logistic3A_1361 : vector<6x512xf32>
      %slice3A_1363 = vector.extract_strided_slice %logistic3A_1362 {offsets = [0, 0], sizes = [6, 256], strides = [1, 1]} : vector<6x512xf32> to vector<6x256xf32>
      %slice3A_1364 = vector.extract_strided_slice %logistic3A_1362 {offsets = [0, 256], sizes = [6, 256], strides = [1, 1]} : vector<6x512xf32> to vector<6x256xf32>
      %slice3A_1365 = vector.extract_strided_slice %add3A_1355 {offsets = [0, 512], sizes = [6, 256], strides = [1, 1]} : vector<6x768xf32> to vector<6x256xf32>
      %tanh3A_1366 = math.tanh %slice3A_1365 : vector<6x256xf32>
      %mul3A_1367 = vector.broadcast %select_n3A_1345 : vector<1x256xf32> to vector<6x256xf32>
      %mul3A_1368 = arith.mulf %slice3A_1364, %mul3A_1367 : vector<6x256xf32>
      %mul3A_1369 = arith.mulf %slice3A_1363, %tanh3A_1366 : vector<6x256xf32>
      %add3A_1370 = arith.addf %mul3A_1368, %mul3A_1369 : vector<6x256xf32>
      %broadcast_in_dim3A_1371 = arith.constant 0.000000e+00 : f32
      %broadcast_in_dim3A_1372 = vector.broadcast %broadcast_in_dim3A_1371 : f32 to vector<4x256xf32>
      %slice3A_1373 = vector.extract_strided_slice %concatenate3A_1117 {offsets = [0, 0], sizes = [4, 256], strides = [1, 1]} : vector<6x256xf32> to vector<4x256xf32>
      %slice3A_1374 = vector.extract_strided_slice %add3A_1370 {offsets = [4, 0], sizes = [2, 256], strides = [1, 1]} : vector<6x256xf32> to vector<2x256xf32>
      %concatenate3A_1375 = tpu.concatenate %slice3A_1373, %slice3A_1374 in 0 : vector<4x256xf32>, vector<2x256xf32> -> vector<6x256xf32>
      %slice3A_1376 = vector.extract_strided_slice %concatenate3A_1119 {offsets = [0, 0], sizes = [2, 256], strides = [1, 1]} : vector<6x256xf32> to vector<2x256xf32>
      %slice3A_1377 = vector.extract_strided_slice %add3A_1370 {offsets = [2, 0], sizes = [2, 256], strides = [1, 1]} : vector<6x256xf32> to vector<2x256xf32>
      %slice3A_1378 = vector.extract_strided_slice %concatenate3A_1119 {offsets = [4, 0], sizes = [2, 256], strides = [1, 1]} : vector<6x256xf32> to vector<2x256xf32>
      %concatenate3A_1379 = tpu.concatenate %slice3A_1376, %slice3A_1377, %slice3A_1378 in 0 : vector<2x256xf32>, vector<2x256xf32>, vector<2x256xf32> -> vector<6x256xf32>
      %slice3A_1380 = vector.extract_strided_slice %add3A_1370 {offsets = [0, 0], sizes = [2, 256], strides = [1, 1]} : vector<6x256xf32> to vector<2x256xf32>
      %concatenate3A_1381 = tpu.concatenate %slice3A_1380, %broadcast_in_dim3A_1372 in 0 : vector<2x256xf32>, vector<4x256xf32> -> vector<6x256xf32>
      %broadcast_in_dim3A_1382 = arith.constant 0.000000e+00 : f32
      %broadcast_in_dim3A_1383 = vector.broadcast %broadcast_in_dim3A_1382 : f32 to vector<4x256xf32>
      %slice3A_1384 = vector.extract_strided_slice %concatenate3A_1128 {offsets = [0, 0], sizes = [4, 256], strides = [1, 1]} : vector<6x256xf32> to vector<4x256xf32>
      %slice3A_1385 = vector.extract_strided_slice %slice3A_1303 {offsets = [4, 0], sizes = [2, 256], strides = [1, 1]} : vector<6x256xf32> to vector<2x256xf32>
      %concatenate3A_1386 = tpu.concatenate %slice3A_1384, %slice3A_1385 in 0 : vector<4x256xf32>, vector<2x256xf32> -> vector<6x256xf32>
      %slice3A_1387 = vector.extract_strided_slice %concatenate3A_1130 {offsets = [0, 0], sizes = [2, 256], strides = [1, 1]} : vector<6x256xf32> to vector<2x256xf32>
      %slice3A_1388 = vector.extract_strided_slice %slice3A_1303 {offsets = [2, 0], sizes = [2, 256], strides = [1, 1]} : vector<6x256xf32> to vector<2x256xf32>
      %slice3A_1389 = vector.extract_strided_slice %concatenate3A_1130 {offsets = [4, 0], sizes = [2, 256], strides = [1, 1]} : vector<6x256xf32> to vector<2x256xf32>
      %concatenate3A_1390 = tpu.concatenate %slice3A_1387, %slice3A_1388, %slice3A_1389 in 0 : vector<2x256xf32>, vector<2x256xf32>, vector<2x256xf32> -> vector<6x256xf32>
      %slice3A_1391 = vector.extract_strided_slice %slice3A_1303 {offsets = [0, 0], sizes = [2, 256], strides = [1, 1]} : vector<6x256xf32> to vector<2x256xf32>
      %concatenate3A_1392 = tpu.concatenate %slice3A_1391, %broadcast_in_dim3A_1383 in 0 : vector<2x256xf32>, vector<4x256xf32> -> vector<6x256xf32>
      %slice3A_1393 = vector.extract_strided_slice %add3A_1370 {offsets = [4, 0], sizes = [2, 256], strides = [1, 1]} : vector<6x256xf32> to vector<2x256xf32>
      %get3A_1394 = arith.index_cast %max3A_1180 : i32 to index
      %get3A_1395 = arith.constant 0 : index
      %get3A_1396 = vector.load %arg25[%get3A_1394, %get3A_1395] : memref<512x1024xf32, #tpu.memory_space<vmem>>, vector<1x1024xf32>
      %get3A_1397 = arith.constant 0 : index
      %get3A_1398 = arith.constant 0 : index
      %get3A_1399 = vector.load %arg9[%get3A_1397, %get3A_1398] : memref<256x1024xbf16, #tpu.memory_space<vmem>>, vector<256x1024xbf16>
      %convert_element_type3A_1400 = arith.truncf %mul3A_1347 : vector<1x256xf32> to vector<1x256xbf16>
      %dot_general3A_1401 = arith.constant dense<0.000000e+00> : vector<1x1024xf32>
      %dot_general3A_1402 = tpu.matmul %convert_element_type3A_1400, %get3A_1399, %dot_general3A_1401 {dimension_numbers = #tpu.dot_dimension_numbers<[1], [0], [0], [1], [0, 0, 1, 1], [], []>, transpose_lhs_hint = false} : vector<1x256xbf16>, vector<256x1024xbf16>, vector<1x1024xf32> -> vector<1x1024xf32>
      %add3A_1403 = arith.addf %get3A_1396, %dot_general3A_1402 : vector<1x1024xf32>
      %get3A_1404 = arith.index_cast %max3A_1180 : i32 to index
      %get3A_1405 = arith.constant 0 : index
      %get3A_1406 = vector.load %arg26[%get3A_1404, %get3A_1405] : memref<512x256xf32, #tpu.memory_space<vmem>>, vector<1x256xf32>
      %slice3A_1407 = vector.extract_strided_slice %concatenate3A_1117 {offsets = [0, 0], sizes = [4, 256], strides = [1, 1]} : vector<6x256xf32> to vector<4x256xf32>
      %get3A_1408 = arith.constant 0 : index
      %get3A_1409 = arith.constant 0 : index
      %get3A_1410 = vector.load %arg13[%get3A_1408, %get3A_1409] : memref<256x256xbf16, #tpu.memory_space<vmem>>, vector<256x256xbf16>
      %convert_element_type3A_1411 = arith.truncf %slice3A_1407 : vector<4x256xf32> to vector<4x256xbf16>
      %dot_general3A_1412 = arith.constant dense<0.000000e+00> : vector<4x256xf32>
      %dot_general3A_1413 = tpu.matmul %convert_element_type3A_1411, %get3A_1410, %dot_general3A_1412 {dimension_numbers = #tpu.dot_dimension_numbers<[1], [0], [0], [1], [0, 0, 1, 1], [], []>, transpose_lhs_hint = false} : vector<4x256xbf16>, vector<256x256xbf16>, vector<4x256xf32> -> vector<4x256xf32>
      %get3A_1414 = arith.constant 0 : index
      %get3A_1415 = arith.constant 0 : index
      %get3A_1416 = vector.load %arg13[%get3A_1414, %get3A_1415] : memref<256x256xbf16, #tpu.memory_space<vmem>>, vector<256x256xbf16>
      %convert_element_type3A_1417 = arith.truncf %slice3A_1393 : vector<2x256xf32> to vector<2x256xbf16>
      %dot_general3A_1418 = arith.constant dense<0.000000e+00> : vector<2x256xf32>
      %dot_general3A_1419 = tpu.matmul %convert_element_type3A_1417, %get3A_1416, %dot_general3A_1418 {dimension_numbers = #tpu.dot_dimension_numbers<[1], [0], [0], [1], [0, 0, 1, 1], [], []>, transpose_lhs_hint = false} : vector<2x256xbf16>, vector<256x256xbf16>, vector<2x256xf32> -> vector<2x256xf32>
      %concatenate3A_1420 = tpu.concatenate %dot_general3A_1413, %dot_general3A_1419 in 0 : vector<4x256xf32>, vector<2x256xf32> -> vector<6x256xf32>
      %add3A_1421 = vector.broadcast %get3A_1406 : vector<1x256xf32> to vector<6x256xf32>
      %add3A_1422 = arith.addf %add3A_1421, %concatenate3A_1420 : vector<6x256xf32>
      %swap3A_1423 = arith.index_cast %add3A_1170 : i32 to index
      %swap3A_1424 = arith.constant 0 : index
      %swap3A_1425 = vector.load %arg22[%swap3A_1423, %swap3A_1424] : memref<512x512xf32, #tpu.memory_space<vmem>>, vector<1x256xf32>
      tpu.vector_store %arg22[%swap3A_1423, %swap3A_1424], %mul3A_1226 {strides = array<i32>} : memref<512x512xf32, #tpu.memory_space<vmem>>, vector<1x256xf32>,
      %swap3A_1426 = arith.index_cast %sub3A_1172 : i32 to index
      %swap3A_1427 = arith.constant 256 : index
      %swap3A_1428 = vector.load %arg22[%swap3A_1426, %swap3A_1427] : memref<512x512xf32, #tpu.memory_space<vmem>>, vector<1x256xf32>
      tpu.vector_store %arg22[%swap3A_1426, %swap3A_1427], %mul3A_1347 {strides = array<i32>} : memref<512x512xf32, #tpu.memory_space<vmem>>, vector<1x256xf32>,
      %mul3A_1429 = arith.constant 4 : i32
      %mul3A_1430 = arith.muli %mul3A_1429, %scan3A_614 : i32
      %add3A_1431 = arith.constant 3 : i32
      %add3A_1432 = arith.addi %mul3A_1430, %add3A_1431 : i32
      %sub3A_1433 = arith.constant 511 : i32
      %sub3A_1434 = arith.subi %sub3A_1433, %add3A_1432 : i32
      %add3A_1435 = arith.constant 1 : i32
      %add3A_1436 = arith.addi %add3A_1432, %add3A_1435 : i32
      %min3A_1437 = arith.constant 511 : i32
      %min3A_1438 = arith.minsi %add3A_1436, %min3A_1437 : i32
      %sub3A_1439 = arith.constant 1 : i32
      %sub3A_1440 = arith.subi %sub3A_1434, %sub3A_1439 : i32
      %max3A_1441 = arith.constant 0 : i32
      %max3A_1442 = arith.maxsi %sub3A_1440, %max3A_1441 : i32
      %slice3A_1443 = vector.extract_strided_slice %get3A_636 {offsets = [12, 0], sizes = [2, 768], strides = [1, 1]} : vector<16x768xf32> to vector<2x768xf32>
      %slice3A_1444 = vector.extract_strided_slice %get3A_647 {offsets = [24, 0], sizes = [6, 256], strides = [1, 1]} : vector<32x256xf32> to vector<6x256xf32>
      %slice3A_1445 = vector.extract_strided_slice %add3A_1282 {offsets = [0, 0], sizes = [1, 768], strides = [1, 1]} : vector<1x1024xf32> to vector<1x768xf32>
      %logistic3A_1446 = arith.negf %slice3A_1445 : vector<1x768xf32>
      %logistic3A_1447 = math.exp %logistic3A_1446 : vector<1x768xf32>
      %logistic3A_1448 = arith.constant 1.000000e+00 : f32
      %logistic3A_1449 = vector.broadcast %logistic3A_1448 : f32 to vector<1x768xf32>
      %logistic3A_1450 = arith.addf %logistic3A_1449, %logistic3A_1447 : vector<1x768xf32>
      %logistic3A_1451 = arith.divf %logistic3A_1449, %logistic3A_1450 : vector<1x768xf32>
      %slice3A_1452 = vector.extract_strided_slice %logistic3A_1451 {offsets = [0, 0], sizes = [1, 256], strides = [1, 1]} : vector<1x768xf32> to vector<1x256xf32>
      %slice3A_1453 = vector.extract_strided_slice %logistic3A_1451 {offsets = [0, 256], sizes = [1, 256], strides = [1, 1]} : vector<1x768xf32> to vector<1x256xf32>
      %slice3A_1454 = vector.extract_strided_slice %logistic3A_1451 {offsets = [0, 512], sizes = [1, 256], strides = [1, 1]} : vector<1x768xf32> to vector<1x256xf32>
      %slice3A_1455 = vector.extract_strided_slice %add3A_1282 {offsets = [0, 768], sizes = [1, 256], strides = [1, 1]} : vector<1x1024xf32> to vector<1x256xf32>
      %tanh3A_1456 = math.tanh %slice3A_1455 : vector<1x256xf32>
      %logistic3A_1457 = arith.negf %add3A_1301 : vector<6x256xf32>
      %logistic3A_1458 = math.exp %logistic3A_1457 : vector<6x256xf32>
      %logistic3A_1459 = arith.constant 1.000000e+00 : f32
      %logistic3A_1460 = vector.broadcast %logistic3A_1459 : f32 to vector<6x256xf32>
      %logistic3A_1461 = arith.addf %logistic3A_1460, %logistic3A_1458 : vector<6x256xf32>
      %logistic3A_1462 = arith.divf %logistic3A_1460, %logistic3A_1461 : vector<6x256xf32>
      %exp3A_1463 = math.exp %logistic3A_1462 : vector<6x256xf32>
      %mul3A_1464 = arith.mulf %concatenate3A_1266, %exp3A_1463 : vector<6x256xf32>
      %exp3A_1465 = math.exp %slice3A_1452 : vector<1x256xf32>
      %reduce_sum3A_1466 = arith.constant dense<0.000000e+00> : vector<256xf32>
      %reduce_sum3A_1467 = vector.multi_reduction <add>, %mul3A_1464, %reduce_sum3A_1466 [0] : vector<6x256xf32> to vector<256xf32>
      %broadcast_in_dim3A_1468 = vector.shape_cast %reduce_sum3A_1467 : vector<256xf32> to vector<1x256xf32>
      %mul3A_1469 = arith.mulf %mul3A_1464, %concatenate3A_1255 : vector<6x256xf32>
      %reduce_sum3A_1470 = arith.constant dense<0.000000e+00> : vector<256xf32>
      %reduce_sum3A_1471 = vector.multi_reduction <add>, %mul3A_1469, %reduce_sum3A_1470 [0] : vector<6x256xf32> to vector<256xf32>
      %broadcast_in_dim3A_1472 = vector.shape_cast %reduce_sum3A_1471 : vector<256xf32> to vector<1x256xf32>
      %reduce_max3A_1473 = arith.constant dense<0xFF800000> : vector<256xf32>
      %reduce_max3A_1474 = vector.multi_reduction <maximumf>, %concatenate3A_1266, %reduce_max3A_1473 [0] : vector<6x256xf32> to vector<256xf32>
      %broadcast_in_dim3A_1475 = vector.shape_cast %reduce_max3A_1474 : vector<256xf32> to vector<1x256xf32>
      %mul3A_1476 = arith.mulf %exp3A_1465, %tanh3A_1456 : vector<1x256xf32>
      %add3A_1477 = arith.addf %mul3A_1476, %broadcast_in_dim3A_1472 : vector<1x256xf32>
      %add3A_1478 = arith.addf %exp3A_1465, %broadcast_in_dim3A_1468 : vector<1x256xf32>
      %div3A_1479 = arith.divf %add3A_1477, %add3A_1478 : vector<1x256xf32>
      %mul3A_1480 = arith.mulf %slice3A_1453, %select_n3A_1224 : vector<1x256xf32>
      %mul3A_1481 = arith.mulf %slice3A_1452, %tanh3A_1456 : vector<1x256xf32>
      %add3A_1482 = arith.addf %mul3A_1480, %mul3A_1481 : vector<1x256xf32>
      %gt3A_1483 = arith.constant 5.000000e-01 : f32
      %gt3A_1484 = vector.broadcast %gt3A_1483 : f32 to vector<1x256xf32>
      %gt3A_1485 = arith.cmpf ogt, %broadcast_in_dim3A_1475, %gt3A_1484 : vector<1x256xf32>
      %select_n3A_1486 = arith.select %gt3A_1485, %div3A_1479, %add3A_1482 : vector<1x256xi1>, vector<1x256xf32>
      %tanh3A_1487 = math.tanh %select_n3A_1486 : vector<1x256xf32>
      %mul3A_1488 = arith.mulf %slice3A_1454, %tanh3A_1487 : vector<1x256xf32>
      %get3A_1489 = arith.constant 0 : index
      %get3A_1490 = arith.constant 0 : index
      %get3A_1491 = vector.load %arg6[%get3A_1489, %get3A_1490] : memref<256x768xbf16, #tpu.memory_space<vmem>>, vector<256x768xbf16>
      %convert_element_type3A_1492 = arith.truncf %mul3A_1488 : vector<1x256xf32> to vector<1x256xbf16>
      %dot_general3A_1493 = arith.constant dense<0.000000e+00> : vector<1x768xf32>
      %dot_general3A_1494 = tpu.matmul %convert_element_type3A_1492, %get3A_1491, %dot_general3A_1493 {dimension_numbers = #tpu.dot_dimension_numbers<[1], [0], [0], [1], [0, 0, 1, 1], [], []>, transpose_lhs_hint = false} : vector<1x256xbf16>, vector<256x768xbf16>, vector<1x768xf32> -> vector<1x768xf32>
      %add3A_1495 = vector.broadcast %dot_general3A_1494 : vector<1x768xf32> to vector<2x768xf32>
      %add3A_1496 = arith.addf %slice3A_1443, %add3A_1495 : vector<2x768xf32>
      %slice3A_1497 = vector.extract_strided_slice %add3A_1496 {offsets = [0, 0], sizes = [2, 512], strides = [1, 1]} : vector<2x768xf32> to vector<2x512xf32>
      %logistic3A_1498 = arith.negf %slice3A_1497 : vector<2x512xf32>
      %logistic3A_1499 = math.exp %logistic3A_1498 : vector<2x512xf32>
      %logistic3A_1500 = arith.constant 1.000000e+00 : f32
      %logistic3A_1501 = vector.broadcast %logistic3A_1500 : f32 to vector<2x512xf32>
      %logistic3A_1502 = arith.addf %logistic3A_1501, %logistic3A_1499 : vector<2x512xf32>
      %logistic3A_1503 = arith.divf %logistic3A_1501, %logistic3A_1502 : vector<2x512xf32>
      %slice3A_1504 = vector.extract_strided_slice %logistic3A_1503 {offsets = [0, 0], sizes = [2, 256], strides = [1, 1]} : vector<2x512xf32> to vector<2x256xf32>
      %slice3A_1505 = vector.extract_strided_slice %logistic3A_1503 {offsets = [0, 256], sizes = [2, 256], strides = [1, 1]} : vector<2x512xf32> to vector<2x256xf32>
      %slice3A_1506 = vector.extract_strided_slice %add3A_1496 {offsets = [0, 512], sizes = [2, 256], strides = [1, 1]} : vector<2x768xf32> to vector<2x256xf32>
      %tanh3A_1507 = math.tanh %slice3A_1506 : vector<2x256xf32>
      %mul3A_1508 = vector.broadcast %select_n3A_1486 : vector<1x256xf32> to vector<2x256xf32>
      %mul3A_1509 = arith.mulf %slice3A_1505, %mul3A_1508 : vector<2x256xf32>
      %mul3A_1510 = arith.mulf %slice3A_1504, %tanh3A_1507 : vector<2x256xf32>
      %add3A_1511 = arith.addf %mul3A_1509, %mul3A_1510 : vector<2x256xf32>
      %concatenate3A_1512 = tpu.concatenate %add3A_1511, %add3A_1511, %add3A_1511 in 0 : vector<2x256xf32>, vector<2x256xf32>, vector<2x256xf32> -> vector<6x256xf32>
      %broadcast_in_dim3A_1513 = arith.constant 0.000000e+00 : f32
      %broadcast_in_dim3A_1514 = vector.broadcast %broadcast_in_dim3A_1513 : f32 to vector<4x256xf32>
      %slice3A_1515 = vector.extract_strided_slice %concatenate3A_1259 {offsets = [0, 0], sizes = [4, 256], strides = [1, 1]} : vector<6x256xf32> to vector<4x256xf32>
      %slice3A_1516 = vector.extract_strided_slice %concatenate3A_1512 {offsets = [0, 0], sizes = [2, 256], strides = [1, 1]} : vector<6x256xf32> to vector<2x256xf32>
      %concatenate3A_1517 = tpu.concatenate %slice3A_1515, %slice3A_1516 in 0 : vector<4x256xf32>, vector<2x256xf32> -> vector<6x256xf32>
      %slice3A_1518 = vector.extract_strided_slice %concatenate3A_1261 {offsets = [0, 0], sizes = [2, 256], strides = [1, 1]} : vector<6x256xf32> to vector<2x256xf32>
      %slice3A_1519 = vector.extract_strided_slice %concatenate3A_1512 {offsets = [2, 0], sizes = [2, 256], strides = [1, 1]} : vector<6x256xf32> to vector<2x256xf32>
      %slice3A_1520 = vector.extract_strided_slice %concatenate3A_1261 {offsets = [4, 0], sizes = [2, 256], strides = [1, 1]} : vector<6x256xf32> to vector<2x256xf32>
      %concatenate3A_1521 = tpu.concatenate %slice3A_1518, %slice3A_1519, %slice3A_1520 in 0 : vector<2x256xf32>, vector<2x256xf32>, vector<2x256xf32> -> vector<6x256xf32>
      %slice3A_1522 = vector.extract_strided_slice %concatenate3A_1512 {offsets = [4, 0], sizes = [2, 256], strides = [1, 1]} : vector<6x256xf32> to vector<2x256xf32>
      %concatenate3A_1523 = tpu.concatenate %slice3A_1522, %broadcast_in_dim3A_1514 in 0 : vector<2x256xf32>, vector<4x256xf32> -> vector<6x256xf32>
      %broadcast_in_dim3A_1524 = arith.constant 0.000000e+00 : f32
      %broadcast_in_dim3A_1525 = vector.broadcast %broadcast_in_dim3A_1524 : f32 to vector<4x256xf32>
      %slice3A_1526 = vector.extract_strided_slice %concatenate3A_1270 {offsets = [0, 0], sizes = [4, 256], strides = [1, 1]} : vector<6x256xf32> to vector<4x256xf32>
      %slice3A_1527 = vector.extract_strided_slice %slice3A_1444 {offsets = [0, 0], sizes = [2, 256], strides = [1, 1]} : vector<6x256xf32> to vector<2x256xf32>
      %concatenate3A_1528 = tpu.concatenate %slice3A_1526, %slice3A_1527 in 0 : vector<4x256xf32>, vector<2x256xf32> -> vector<6x256xf32>
      %slice3A_1529 = vector.extract_strided_slice %concatenate3A_1272 {offsets = [0, 0], sizes = [2, 256], strides = [1, 1]} : vector<6x256xf32> to vector<2x256xf32>
      %slice3A_1530 = vector.extract_strided_slice %slice3A_1444 {offsets = [2, 0], sizes = [2, 256], strides = [1, 1]} : vector<6x256xf32> to vector<2x256xf32>
      %slice3A_1531 = vector.extract_strided_slice %concatenate3A_1272 {offsets = [4, 0], sizes = [2, 256], strides = [1, 1]} : vector<6x256xf32> to vector<2x256xf32>
      %concatenate3A_1532 = tpu.concatenate %slice3A_1529, %slice3A_1530, %slice3A_1531 in 0 : vector<2x256xf32>, vector<2x256xf32>, vector<2x256xf32> -> vector<6x256xf32>
      %slice3A_1533 = vector.extract_strided_slice %slice3A_1444 {offsets = [4, 0], sizes = [2, 256], strides = [1, 1]} : vector<6x256xf32> to vector<2x256xf32>
      %concatenate3A_1534 = tpu.concatenate %slice3A_1533, %broadcast_in_dim3A_1525 in 0 : vector<2x256xf32>, vector<4x256xf32> -> vector<6x256xf32>
      %get3A_1535 = arith.index_cast %min3A_1438 : i32 to index
      %get3A_1536 = arith.constant 0 : index
      %get3A_1537 = vector.load %arg23[%get3A_1535, %get3A_1536] : memref<512x1024xf32, #tpu.memory_space<vmem>>, vector<1x1024xf32>
      %get3A_1538 = arith.constant 0 : index
      %get3A_1539 = arith.constant 0 : index
      %get3A_1540 = vector.load %arg4[%get3A_1538, %get3A_1539] : memref<256x1024xbf16, #tpu.memory_space<vmem>>, vector<256x1024xbf16>
      %convert_element_type3A_1541 = arith.truncf %mul3A_1488 : vector<1x256xf32> to vector<1x256xbf16>
      %dot_general3A_1542 = arith.constant dense<0.000000e+00> : vector<1x1024xf32>
      %dot_general3A_1543 = tpu.matmul %convert_element_type3A_1541, %get3A_1540, %dot_general3A_1542 {dimension_numbers = #tpu.dot_dimension_numbers<[1], [0], [0], [1], [0, 0, 1, 1], [], []>, transpose_lhs_hint = false} : vector<1x256xbf16>, vector<256x1024xbf16>, vector<1x1024xf32> -> vector<1x1024xf32>
      %add3A_1544 = arith.addf %get3A_1537, %dot_general3A_1543 : vector<1x1024xf32>
      %get3A_1545 = arith.index_cast %min3A_1438 : i32 to index
      %get3A_1546 = arith.constant 0 : index
      %get3A_1547 = vector.load %arg24[%get3A_1545, %get3A_1546] : memref<512x256xf32, #tpu.memory_space<vmem>>, vector<1x256xf32>
      %slice3A_1548 = vector.extract_strided_slice %concatenate3A_1259 {offsets = [0, 0], sizes = [4, 256], strides = [1, 1]} : vector<6x256xf32> to vector<4x256xf32>
      %get3A_1549 = arith.constant 0 : index
      %get3A_1550 = arith.constant 0 : index
      %get3A_1551 = vector.load %arg8[%get3A_1549, %get3A_1550] : memref<256x256xbf16, #tpu.memory_space<vmem>>, vector<256x256xbf16>
      %convert_element_type3A_1552 = arith.truncf %slice3A_1548 : vector<4x256xf32> to vector<4x256xbf16>
      %dot_general3A_1553 = arith.constant dense<0.000000e+00> : vector<4x256xf32>
      %dot_general3A_1554 = tpu.matmul %convert_element_type3A_1552, %get3A_1551, %dot_general3A_1553 {dimension_numbers = #tpu.dot_dimension_numbers<[1], [0], [0], [1], [0, 0, 1, 1], [], []>, transpose_lhs_hint = false} : vector<4x256xbf16>, vector<256x256xbf16>, vector<4x256xf32> -> vector<4x256xf32>
      %get3A_1555 = arith.constant 0 : index
      %get3A_1556 = arith.constant 0 : index
      %get3A_1557 = vector.load %arg8[%get3A_1555, %get3A_1556] : memref<256x256xbf16, #tpu.memory_space<vmem>>, vector<256x256xbf16>
      %convert_element_type3A_1558 = arith.truncf %add3A_1511 : vector<2x256xf32> to vector<2x256xbf16>
      %dot_general3A_1559 = arith.constant dense<0.000000e+00> : vector<2x256xf32>
      %dot_general3A_1560 = tpu.matmul %convert_element_type3A_1558, %get3A_1557, %dot_general3A_1559 {dimension_numbers = #tpu.dot_dimension_numbers<[1], [0], [0], [1], [0, 0, 1, 1], [], []>, transpose_lhs_hint = false} : vector<2x256xbf16>, vector<256x256xbf16>, vector<2x256xf32> -> vector<2x256xf32>
      %concatenate3A_1561 = tpu.concatenate %dot_general3A_1554, %dot_general3A_1560 in 0 : vector<4x256xf32>, vector<2x256xf32> -> vector<6x256xf32>
      %add3A_1562 = vector.broadcast %get3A_1547 : vector<1x256xf32> to vector<6x256xf32>
      %add3A_1563 = arith.addf %add3A_1562, %concatenate3A_1561 : vector<6x256xf32>
      %slice3A_1564 = vector.extract_strided_slice %get3A_642 {offsets = [0, 0], sizes = [6, 768], strides = [1, 1]} : vector<16x768xf32> to vector<6x768xf32>
      %slice3A_1565 = vector.extract_strided_slice %get3A_654 {offsets = [0, 0], sizes = [6, 256], strides = [1, 1]} : vector<32x256xf32> to vector<6x256xf32>
      %slice3A_1566 = vector.extract_strided_slice %add3A_1403 {offsets = [0, 0], sizes = [1, 768], strides = [1, 1]} : vector<1x1024xf32> to vector<1x768xf32>
      %logistic3A_1567 = arith.negf %slice3A_1566 : vector<1x768xf32>
      %logistic3A_1568 = math.exp %logistic3A_1567 : vector<1x768xf32>
      %logistic3A_1569 = arith.constant 1.000000e+00 : f32
      %logistic3A_1570 = vector.broadcast %logistic3A_1569 : f32 to vector<1x768xf32>
      %logistic3A_1571 = arith.addf %logistic3A_1570, %logistic3A_1568 : vector<1x768xf32>
      %logistic3A_1572 = arith.divf %logistic3A_1570, %logistic3A_1571 : vector<1x768xf32>
      %slice3A_1573 = vector.extract_strided_slice %logistic3A_1572 {offsets = [0, 0], sizes = [1, 256], strides = [1, 1]} : vector<1x768xf32> to vector<1x256xf32>
      %slice3A_1574 = vector.extract_strided_slice %logistic3A_1572 {offsets = [0, 256], sizes = [1, 256], strides = [1, 1]} : vector<1x768xf32> to vector<1x256xf32>
      %slice3A_1575 = vector.extract_strided_slice %logistic3A_1572 {offsets = [0, 512], sizes = [1, 256], strides = [1, 1]} : vector<1x768xf32> to vector<1x256xf32>
      %slice3A_1576 = vector.extract_strided_slice %add3A_1403 {offsets = [0, 768], sizes = [1, 256], strides = [1, 1]} : vector<1x1024xf32> to vector<1x256xf32>
      %tanh3A_1577 = math.tanh %slice3A_1576 : vector<1x256xf32>
      %logistic3A_1578 = arith.negf %add3A_1422 : vector<6x256xf32>
      %logistic3A_1579 = math.exp %logistic3A_1578 : vector<6x256xf32>
      %logistic3A_1580 = arith.constant 1.000000e+00 : f32
      %logistic3A_1581 = vector.broadcast %logistic3A_1580 : f32 to vector<6x256xf32>
      %logistic3A_1582 = arith.addf %logistic3A_1581, %logistic3A_1579 : vector<6x256xf32>
      %logistic3A_1583 = arith.divf %logistic3A_1581, %logistic3A_1582 : vector<6x256xf32>
      %exp3A_1584 = math.exp %logistic3A_1583 : vector<6x256xf32>
      %mul3A_1585 = arith.mulf %concatenate3A_1386, %exp3A_1584 : vector<6x256xf32>
      %exp3A_1586 = math.exp %slice3A_1573 : vector<1x256xf32>
      %reduce_sum3A_1587 = arith.constant dense<0.000000e+00> : vector<256xf32>
      %reduce_sum3A_1588 = vector.multi_reduction <add>, %mul3A_1585, %reduce_sum3A_1587 [0] : vector<6x256xf32> to vector<256xf32>
      %broadcast_in_dim3A_1589 = vector.shape_cast %reduce_sum3A_1588 : vector<256xf32> to vector<1x256xf32>
      %mul3A_1590 = arith.mulf %mul3A_1585, %concatenate3A_1375 : vector<6x256xf32>
      %reduce_sum3A_1591 = arith.constant dense<0.000000e+00> : vector<256xf32>
      %reduce_sum3A_1592 = vector.multi_reduction <add>, %mul3A_1590, %reduce_sum3A_1591 [0] : vector<6x256xf32> to vector<256xf32>
      %broadcast_in_dim3A_1593 = vector.shape_cast %reduce_sum3A_1592 : vector<256xf32> to vector<1x256xf32>
      %reduce_max3A_1594 = arith.constant dense<0xFF800000> : vector<256xf32>
      %reduce_max3A_1595 = vector.multi_reduction <maximumf>, %concatenate3A_1386, %reduce_max3A_1594 [0] : vector<6x256xf32> to vector<256xf32>
      %broadcast_in_dim3A_1596 = vector.shape_cast %reduce_max3A_1595 : vector<256xf32> to vector<1x256xf32>
      %mul3A_1597 = arith.mulf %exp3A_1586, %tanh3A_1577 : vector<1x256xf32>
      %add3A_1598 = arith.addf %mul3A_1597, %broadcast_in_dim3A_1593 : vector<1x256xf32>
      %add3A_1599 = arith.addf %exp3A_1586, %broadcast_in_dim3A_1589 : vector<1x256xf32>
      %div3A_1600 = arith.divf %add3A_1598, %add3A_1599 : vector<1x256xf32>
      %mul3A_1601 = arith.mulf %slice3A_1574, %select_n3A_1345 : vector<1x256xf32>
      %mul3A_1602 = arith.mulf %slice3A_1573, %tanh3A_1577 : vector<1x256xf32>
      %add3A_1603 = arith.addf %mul3A_1601, %mul3A_1602 : vector<1x256xf32>
      %gt3A_1604 = arith.constant 5.000000e-01 : f32
      %gt3A_1605 = vector.broadcast %gt3A_1604 : f32 to vector<1x256xf32>
      %gt3A_1606 = arith.cmpf ogt, %broadcast_in_dim3A_1596, %gt3A_1605 : vector<1x256xf32>
      %select_n3A_1607 = arith.select %gt3A_1606, %div3A_1600, %add3A_1603 : vector<1x256xi1>, vector<1x256xf32>
      %tanh3A_1608 = math.tanh %select_n3A_1607 : vector<1x256xf32>
      %mul3A_1609 = arith.mulf %slice3A_1575, %tanh3A_1608 : vector<1x256xf32>
      %get3A_1610 = arith.constant 0 : index
      %get3A_1611 = arith.constant 0 : index
      %get3A_1612 = vector.load %arg11[%get3A_1610, %get3A_1611] : memref<256x768xbf16, #tpu.memory_space<vmem>>, vector<256x768xbf16>
      %convert_element_type3A_1613 = arith.truncf %mul3A_1609 : vector<1x256xf32> to vector<1x256xbf16>
      %dot_general3A_1614 = arith.constant dense<0.000000e+00> : vector<1x768xf32>
      %dot_general3A_1615 = tpu.matmul %convert_element_type3A_1613, %get3A_1612, %dot_general3A_1614 {dimension_numbers = #tpu.dot_dimension_numbers<[1], [0], [0], [1], [0, 0, 1, 1], [], []>, transpose_lhs_hint = false} : vector<1x256xbf16>, vector<256x768xbf16>, vector<1x768xf32> -> vector<1x768xf32>
      %add3A_1616 = vector.broadcast %dot_general3A_1615 : vector<1x768xf32> to vector<6x768xf32>
      %add3A_1617 = arith.addf %slice3A_1564, %add3A_1616 : vector<6x768xf32>
      %slice3A_1618 = vector.extract_strided_slice %add3A_1617 {offsets = [0, 0], sizes = [6, 512], strides = [1, 1]} : vector<6x768xf32> to vector<6x512xf32>
      %logistic3A_1619 = arith.negf %slice3A_1618 : vector<6x512xf32>
      %logistic3A_1620 = math.exp %logistic3A_1619 : vector<6x512xf32>
      %logistic3A_1621 = arith.constant 1.000000e+00 : f32
      %logistic3A_1622 = vector.broadcast %logistic3A_1621 : f32 to vector<6x512xf32>
      %logistic3A_1623 = arith.addf %logistic3A_1622, %logistic3A_1620 : vector<6x512xf32>
      %logistic3A_1624 = arith.divf %logistic3A_1622, %logistic3A_1623 : vector<6x512xf32>
      %slice3A_1625 = vector.extract_strided_slice %logistic3A_1624 {offsets = [0, 0], sizes = [6, 256], strides = [1, 1]} : vector<6x512xf32> to vector<6x256xf32>
      %slice3A_1626 = vector.extract_strided_slice %logistic3A_1624 {offsets = [0, 256], sizes = [6, 256], strides = [1, 1]} : vector<6x512xf32> to vector<6x256xf32>
      %slice3A_1627 = vector.extract_strided_slice %add3A_1617 {offsets = [0, 512], sizes = [6, 256], strides = [1, 1]} : vector<6x768xf32> to vector<6x256xf32>
      %tanh3A_1628 = math.tanh %slice3A_1627 : vector<6x256xf32>
      %mul3A_1629 = vector.broadcast %select_n3A_1607 : vector<1x256xf32> to vector<6x256xf32>
      %mul3A_1630 = arith.mulf %slice3A_1626, %mul3A_1629 : vector<6x256xf32>
      %mul3A_1631 = arith.mulf %slice3A_1625, %tanh3A_1628 : vector<6x256xf32>
      %add3A_1632 = arith.addf %mul3A_1630, %mul3A_1631 : vector<6x256xf32>
      %broadcast_in_dim3A_1633 = arith.constant 0.000000e+00 : f32
      %broadcast_in_dim3A_1634 = vector.broadcast %broadcast_in_dim3A_1633 : f32 to vector<4x256xf32>
      %slice3A_1635 = vector.extract_strided_slice %concatenate3A_1379 {offsets = [0, 0], sizes = [4, 256], strides = [1, 1]} : vector<6x256xf32> to vector<4x256xf32>
      %slice3A_1636 = vector.extract_strided_slice %add3A_1632 {offsets = [4, 0], sizes = [2, 256], strides = [1, 1]} : vector<6x256xf32> to vector<2x256xf32>
      %concatenate3A_1637 = tpu.concatenate %slice3A_1635, %slice3A_1636 in 0 : vector<4x256xf32>, vector<2x256xf32> -> vector<6x256xf32>
      %slice3A_1638 = vector.extract_strided_slice %concatenate3A_1381 {offsets = [0, 0], sizes = [2, 256], strides = [1, 1]} : vector<6x256xf32> to vector<2x256xf32>
      %slice3A_1639 = vector.extract_strided_slice %add3A_1632 {offsets = [2, 0], sizes = [2, 256], strides = [1, 1]} : vector<6x256xf32> to vector<2x256xf32>
      %slice3A_1640 = vector.extract_strided_slice %concatenate3A_1381 {offsets = [4, 0], sizes = [2, 256], strides = [1, 1]} : vector<6x256xf32> to vector<2x256xf32>
      %concatenate3A_1641 = tpu.concatenate %slice3A_1638, %slice3A_1639, %slice3A_1640 in 0 : vector<2x256xf32>, vector<2x256xf32>, vector<2x256xf32> -> vector<6x256xf32>
      %slice3A_1642 = vector.extract_strided_slice %add3A_1632 {offsets = [0, 0], sizes = [2, 256], strides = [1, 1]} : vector<6x256xf32> to vector<2x256xf32>
      %concatenate3A_1643 = tpu.concatenate %slice3A_1642, %broadcast_in_dim3A_1634 in 0 : vector<2x256xf32>, vector<4x256xf32> -> vector<6x256xf32>
      %broadcast_in_dim3A_1644 = arith.constant 0.000000e+00 : f32
      %broadcast_in_dim3A_1645 = vector.broadcast %broadcast_in_dim3A_1644 : f32 to vector<4x256xf32>
      %slice3A_1646 = vector.extract_strided_slice %concatenate3A_1390 {offsets = [0, 0], sizes = [4, 256], strides = [1, 1]} : vector<6x256xf32> to vector<4x256xf32>
      %slice3A_1647 = vector.extract_strided_slice %slice3A_1565 {offsets = [4, 0], sizes = [2, 256], strides = [1, 1]} : vector<6x256xf32> to vector<2x256xf32>
      %concatenate3A_1648 = tpu.concatenate %slice3A_1646, %slice3A_1647 in 0 : vector<4x256xf32>, vector<2x256xf32> -> vector<6x256xf32>
      %slice3A_1649 = vector.extract_strided_slice %concatenate3A_1392 {offsets = [0, 0], sizes = [2, 256], strides = [1, 1]} : vector<6x256xf32> to vector<2x256xf32>
      %slice3A_1650 = vector.extract_strided_slice %slice3A_1565 {offsets = [2, 0], sizes = [2, 256], strides = [1, 1]} : vector<6x256xf32> to vector<2x256xf32>
      %slice3A_1651 = vector.extract_strided_slice %concatenate3A_1392 {offsets = [4, 0], sizes = [2, 256], strides = [1, 1]} : vector<6x256xf32> to vector<2x256xf32>
      %concatenate3A_1652 = tpu.concatenate %slice3A_1649, %slice3A_1650, %slice3A_1651 in 0 : vector<2x256xf32>, vector<2x256xf32>, vector<2x256xf32> -> vector<6x256xf32>
      %slice3A_1653 = vector.extract_strided_slice %slice3A_1565 {offsets = [0, 0], sizes = [2, 256], strides = [1, 1]} : vector<6x256xf32> to vector<2x256xf32>
      %concatenate3A_1654 = tpu.concatenate %slice3A_1653, %broadcast_in_dim3A_1645 in 0 : vector<2x256xf32>, vector<4x256xf32> -> vector<6x256xf32>
      %slice3A_1655 = vector.extract_strided_slice %add3A_1632 {offsets = [4, 0], sizes = [2, 256], strides = [1, 1]} : vector<6x256xf32> to vector<2x256xf32>
      %get3A_1656 = arith.index_cast %max3A_1442 : i32 to index
      %get3A_1657 = arith.constant 0 : index
      %get3A_1658 = vector.load %arg25[%get3A_1656, %get3A_1657] : memref<512x1024xf32, #tpu.memory_space<vmem>>, vector<1x1024xf32>
      %get3A_1659 = arith.constant 0 : index
      %get3A_1660 = arith.constant 0 : index
      %get3A_1661 = vector.load %arg9[%get3A_1659, %get3A_1660] : memref<256x1024xbf16, #tpu.memory_space<vmem>>, vector<256x1024xbf16>
      %convert_element_type3A_1662 = arith.truncf %mul3A_1609 : vector<1x256xf32> to vector<1x256xbf16>
      %dot_general3A_1663 = arith.constant dense<0.000000e+00> : vector<1x1024xf32>
      %dot_general3A_1664 = tpu.matmul %convert_element_type3A_1662, %get3A_1661, %dot_general3A_1663 {dimension_numbers = #tpu.dot_dimension_numbers<[1], [0], [0], [1], [0, 0, 1, 1], [], []>, transpose_lhs_hint = false} : vector<1x256xbf16>, vector<256x1024xbf16>, vector<1x1024xf32> -> vector<1x1024xf32>
      %add3A_1665 = arith.addf %get3A_1658, %dot_general3A_1664 : vector<1x1024xf32>
      %get3A_1666 = arith.index_cast %max3A_1442 : i32 to index
      %get3A_1667 = arith.constant 0 : index
      %get3A_1668 = vector.load %arg26[%get3A_1666, %get3A_1667] : memref<512x256xf32, #tpu.memory_space<vmem>>, vector<1x256xf32>
      %slice3A_1669 = vector.extract_strided_slice %concatenate3A_1379 {offsets = [0, 0], sizes = [4, 256], strides = [1, 1]} : vector<6x256xf32> to vector<4x256xf32>
      %get3A_1670 = arith.constant 0 : index
      %get3A_1671 = arith.constant 0 : index
      %get3A_1672 = vector.load %arg13[%get3A_1670, %get3A_1671] : memref<256x256xbf16, #tpu.memory_space<vmem>>, vector<256x256xbf16>
      %convert_element_type3A_1673 = arith.truncf %slice3A_1669 : vector<4x256xf32> to vector<4x256xbf16>
      %dot_general3A_1674 = arith.constant dense<0.000000e+00> : vector<4x256xf32>
      %dot_general3A_1675 = tpu.matmul %convert_element_type3A_1673, %get3A_1672, %dot_general3A_1674 {dimension_numbers = #tpu.dot_dimension_numbers<[1], [0], [0], [1], [0, 0, 1, 1], [], []>, transpose_lhs_hint = false} : vector<4x256xbf16>, vector<256x256xbf16>, vector<4x256xf32> -> vector<4x256xf32>
      %get3A_1676 = arith.constant 0 : index
      %get3A_1677 = arith.constant 0 : index
      %get3A_1678 = vector.load %arg13[%get3A_1676, %get3A_1677] : memref<256x256xbf16, #tpu.memory_space<vmem>>, vector<256x256xbf16>
      %convert_element_type3A_1679 = arith.truncf %slice3A_1655 : vector<2x256xf32> to vector<2x256xbf16>
      %dot_general3A_1680 = arith.constant dense<0.000000e+00> : vector<2x256xf32>
      %dot_general3A_1681 = tpu.matmul %convert_element_type3A_1679, %get3A_1678, %dot_general3A_1680 {dimension_numbers = #tpu.dot_dimension_numbers<[1], [0], [0], [1], [0, 0, 1, 1], [], []>, transpose_lhs_hint = false} : vector<2x256xbf16>, vector<256x256xbf16>, vector<2x256xf32> -> vector<2x256xf32>
      %concatenate3A_1682 = tpu.concatenate %dot_general3A_1675, %dot_general3A_1681 in 0 : vector<4x256xf32>, vector<2x256xf32> -> vector<6x256xf32>
      %add3A_1683 = vector.broadcast %get3A_1668 : vector<1x256xf32> to vector<6x256xf32>
      %add3A_1684 = arith.addf %add3A_1683, %concatenate3A_1682 : vector<6x256xf32>
      %swap3A_1685 = arith.index_cast %add3A_1432 : i32 to index
      %swap3A_1686 = arith.constant 0 : index
      %swap3A_1687 = vector.load %arg22[%swap3A_1685, %swap3A_1686] : memref<512x512xf32, #tpu.memory_space<vmem>>, vector<1x256xf32>
      tpu.vector_store %arg22[%swap3A_1685, %swap3A_1686], %mul3A_1488 {strides = array<i32>} : memref<512x512xf32, #tpu.memory_space<vmem>>, vector<1x256xf32>,
      %swap3A_1688 = arith.index_cast %sub3A_1434 : i32 to index
      %swap3A_1689 = arith.constant 256 : index
      %swap3A_1690 = vector.load %arg22[%swap3A_1688, %swap3A_1689] : memref<512x512xf32, #tpu.memory_space<vmem>>, vector<1x256xf32>
      tpu.vector_store %arg22[%swap3A_1688, %swap3A_1689], %mul3A_1609 {strides = array<i32>} : memref<512x512xf32, #tpu.memory_space<vmem>>, vector<1x256xf32>,
      scf.yield %select_n3A_1486, %concatenate3A_1517, %concatenate3A_1521, %concatenate3A_1523, %concatenate3A_1528, %concatenate3A_1532, %concatenate3A_1534, %add3A_1544, %add3A_1563, %select_n3A_1607, %concatenate3A_1637, %concatenate3A_1641, %concatenate3A_1643, %concatenate3A_1648, %concatenate3A_1652, %concatenate3A_1654, %add3A_1665, %add3A_1684 : vector<1x256xf32>, vector<6x256xf32>, vector<6x256xf32>, vector<6x256xf32>, vector<6x256xf32>, vector<6x256xf32>, vector<6x256xf32>, vector<1x1024xf32>, vector<6x256xf32>, vector<1x256xf32>, vector<6x256xf32>, vector<6x256xf32>, vector<6x256xf32>, vector<6x256xf32>, vector<6x256xf32>, vector<6x256xf32>, vector<1x1024xf32>, vector<6x256xf32>
    }
    %scan3A_613 = arith.constant 128 : i32
    return
  }
}

</mosaic_0001>

<sc_bundles>
// kernel: kernel.4.cloned.1.call-start
scs
__scs_entry_jumppad:
0x0: {  	(pc) =	sbr.rel $0x88, $3  }
0x1: {  	(tag) =	ssettag $0x0;
	lr =	simm.s32 $0x1  }
0x2: {  	[smem:$0x3F8A] =	sst lr;
	_ =	strace $0xD0000000  }
0x3: {  	_ = 	snop  }
0x4: {  	_ = 	snop  }
0x5: {  	_ = 	snop  }
0x6: {  	_ = 	snop  }
0x7: {  	_ = 	snop  }
__scs_overlays_trampoline_lowered:
0x8: {  	[smem:$0x3F99] =	sst s0  }
0x9: {  	[smem:$0x3F9A] =	sst s1  }
0xa: {  	[smem:$0x3F9B] =	sst s2  }
0xb: {  	[smem:$0x3F9C] =	sst s3  }
0xc: {  	[smem:$0x3F9D] =	sst s4  }
0xd: {  	[smem:$0x3F9E] =	sst s5  }
0xe: {  	[smem:$0x3F9F] =	sst s6  }
0xf: {  	[smem:$0x3FA0] =	sst s7  }
0x10: {  	[smem:$0x3FA1] =	sst s8  }
0x11: {  	[smem:$0x3FA2] =	sst s9;
	s0 =	simm.s32 @!p0 $0x0  }
0x12: {  	s1 =	sld [smem:$0x3F88];
	s0 =	simm.s32 @p0 $0x1  }
0x13: {  	[smem:$0x3FA3] =	sst s0;
	s0 =	simm.s32 @!p1 $0x0  }
0x14: {  	s2 =	sld [smem:$0x3F87];
	s0 =	simm.s32 @p1 $0x1  }
0x15: {  	[smem:$0x3FA4] =	sst s0;
	s0 =	simm.s32 @!p2 $0x0  }
0x16: {  	s3 =	sld [smem:$0x3FDB];
	s0 =	simm.s32 @p2 $0x1  }
0x17: {  	s4 =	simm.s32 $0x1BF5;
	[smem:$0x3FA6] =	sst s0  }
0x18: {  	s0 =	sld [smem:$0x3F89];
	_ =	swait.ge [sflag:s4], $0x0  }
0x19: {  	s7 =	sld [smem:$0x3F8A]  }
0x1a: {  	s8 =	sadd.s32 $0xFFFFE003, lr  }
0x1b: {  	s9 =	sadd.s32 $0xFFFFFEF7, lr;
	s5 =	simm.s32 $0xFFFFFFFF;
	p2 =	slt.u32 s8, $0xFFFFF086  }
0x1c: {  	p1 =	slt.u32 s9, $0xF7A;
	s5 =	simm.s32 @!p2 $0x0  }
0x1d: {  	s5 =	simm.s32 @p1 $0x1;
	p0 =	seq.s32 s7, s2  }
0x1e: {  	s7 =	smul.u32 @!p0 $0xF7A, s2;
	p2 =	seq.s32 @!p0 s5, $0x0  }
0x1f: {  	s9 =	smul.u32 $0xF7A, s1;
	s8 =	simm.s32 @!p0 $0x1BF5;
	p2 =	por !p2, p0  }
0x20: {  	[sflag:s8] =	ssyncset.s32 @!p0 $0xFFFFF086;
	s6 =	sadd.s32 @!p0 s3, s7;
	s7 =	simm.s32 @!p0 $0x108  }
0x21: {  	s3 =	sadd.s32 s3, s9;
	s6 =	sadd.s32 @!p0 $0x88, s6;
	s7 =	simm.s32 @p2 $0x1082  }
0x22: {  	[simem:s7], [sflag:s8] =	dma.local @!p0 [hbm:s6], $0xF7A  }
0x23: {  	s9 =	sor.u32 $0xD0000000, s2;
	s6 =	simm.s32 $0x108;
	_ =	swait.ge @!p0 [sflag:s8], $0x0  }
0x24: {  	s3 =	sadd.s32 $0x88, s3;
	s6 =	simm.s32 @!p1 $0x1082;
	[sflag:s4] =	ssyncset.s32 $0xFFFFF086  }
0x25: {  	[simem:s6], [sflag:s4] =	dma.local [hbm:s3], $0xF7A  }
0x26: {  	[smem:$0x3F8A] =	sst s1;
	(tag) =	ssettag s2;
	_ =	strace s9  }
0x27: {  	s1 =	sld [smem:$0x3F9A]  }
0x28: {  	s2 =	sld [smem:$0x3F9B]  }
0x29: {  	s4 =	sld [smem:$0x3F9D]  }
0x2a: {  	p0 =	seq.s32 s5, $0x0;
	s5 =	sld [smem:$0x3F9E]  }
0x2b: {  	s6 =	sld [smem:$0x3F9F]  }
0x2c: {  	s7 =	sld [smem:$0x3FA0]  }
0x2d: {  	s3 =	simm.s32 $0x108;
	s8 =	sld [smem:$0x3FA1]  }
0x2e: {  	s3 =	simm.s32 @!p0 $0x1082;
	s9 =	sld [smem:$0x3FA2]  }
0x2f: {  	lr =	sadd.s32 s0, s3;
	s0 =	sld [smem:$0x3F99]  }
0x30: {  	s3 =	sld [smem:$0x3F9C]  }
0x31: {  	[smem:$0x3FA5] =	sst s10  }
0x32: {  	s10 =	sld [smem:$0x3FA3];
	_ =	sdelay $0x3  }
0x33: {  	p0 =	seq.s32 s10, $0x1;
	s10 =	sld [smem:$0x3FA5];
	_ =	sdelay $0x3  }
0x34: {  	[smem:$0x3FA5] =	sst s10  }
0x35: {  	s10 =	sld [smem:$0x3FA4];
	_ =	sdelay $0x3  }
0x36: {  	p1 =	seq.s32 s10, $0x1;
	s10 =	sld [smem:$0x3FA5];
	_ =	sdelay $0x3  }
0x37: {  	[smem:$0x3FA5] =	sst s10  }
0x38: {  	s10 =	sld [smem:$0x3FA6]  }
0x39: {  	_ = 	snop;
	(pc) =	sbr.ind lr, $3  }
0x3a: {  	_ = 	snop  }
0x3b: {  	_ = 	snop  }
0x3c: {  	p2 =	seq.s32 s10, $0x1;
	s10 =	sld [smem:$0x3FA5]  }
0x3d: {  	_ =	shalt  }
0x3e: {  	_ =	shalt  }
0x3f: {  	_ =	shalt  }
0x40: {  	_ =	shalt  }
0x41: {  	_ =	shalt  }
0x42: {  	_ =	shalt  }
0x43: {  	_ =	shalt  }
0x44: {  	_ =	shalt  }
0x45: {  	_ =	shalt  }
0x46: {  	_ =	shalt  }
0x47: {  	_ =	shalt  }
0x48: {  	_ =	shalt  }
0x49: {  	_ =	shalt  }
0x4a: {  	_ =	shalt  }
0x4b: {  	_ =	shalt  }
0x4c: {  	_ =	shalt  }
0x4d: {  	_ =	shalt  }
0x4e: {  	_ =	shalt  }
0x4f: {  	_ =	shalt  }
0x50: {  	_ =	shalt  }
0x51: {  	_ =	shalt  }
0x52: {  	_ =	shalt  }
0x53: {  	_ =	shalt  }
0x54: {  	_ =	shalt  }
0x55: {  	_ =	shalt  }
0x56: {  	_ =	shalt  }
0x57: {  	_ =	shalt  }
0x58: {  	_ =	shalt  }
0x59: {  	_ =	shalt  }
0x5a: {  	_ =	shalt  }
0x5b: {  	_ =	shalt  }
0x5c: {  	_ =	shalt  }
0x5d: {  	_ =	shalt  }
0x5e: {  	_ =	shalt  }
0x5f: {  	_ =	shalt  }
0x60: {  	_ =	shalt  }
0x61: {  	_ =	shalt  }
0x62: {  	_ =	shalt  }
0x63: {  	_ =	shalt  }
0x64: {  	_ =	shalt  }
0x65: {  	_ =	shalt  }
0x66: {  	_ =	shalt  }
0x67: {  	_ =	shalt  }
0x68: {  	_ =	shalt  }
0x69: {  	_ =	shalt  }
0x6a: {  	_ =	shalt  }
0x6b: {  	_ =	shalt  }
0x6c: {  	_ =	shalt  }
0x6d: {  	_ =	shalt  }
0x6e: {  	_ =	shalt  }
0x6f: {  	_ =	shalt  }
0x70: {  	_ =	shalt  }
0x71: {  	_ =	shalt  }
0x72: {  	_ =	shalt  }
0x73: {  	_ =	shalt  }
0x74: {  	_ =	shalt  }
0x75: {  	_ =	shalt  }
0x76: {  	_ =	shalt  }
0x77: {  	_ =	shalt  }
0x78: {  	_ =	shalt  }
0x79: {  	_ =	shalt  }
0x7a: {  	_ =	shalt  }
0x7b: {  	_ =	shalt  }
0x7c: {  	_ =	shalt  }
0x7d: {  	_ =	shalt  }
0x7e: {  	_ =	shalt  }
0x7f: {  	_ =	shalt  }
0x80: {  	_ =	shalt  }
0x81: {  	_ =	shalt  }
0x82: {  	_ =	shalt  }
0x83: {  	_ =	shalt  }
0x84: {  	_ =	shalt  }
0x85: {  	_ =	shalt  }
0x86: {  	_ =	shalt  }
0x87: {  	_ =	shalt  }
.Lfunc_end0:
.L_simem_size_0:
called_computation_lowered:
.L_overlay_start_0:
0x88: {  	s2 =	sld [smem:$0x3FD9]  }
0x89: {  	s3 =	sld [smem:$0x3FFE];
	_ =	sdelay $0x1  }
0x8a: {  	s1 =	srdreg.scid  }
0x8b: {  	s0 =	sand.u32 $0x1, s1  }
0x8c: {  	s17 =	sshll.u32 s0, $0xA;
	s2 =	sadd.s32 s3, s2  }
0x8d: {  	s2 =	sadd.s32 s2, s17  }
0x8e: {  	[smem:$0x3FB1] =	sst s2  }
0x8f: {  	_ = 	snop  }
0x90: {  	s2 =	sld [smem:$0x3FC9]  }
0x91: {  	s18 =	sld [smem:$0x3FC6]  }
0x92: {  	s4 =	sld [smem:$0x3FC5]  }
0x93: {  	s5 =	sld [smem:$0x3FD0];
	(tm) =	ssettm $0x1  }
0x94: {  	s6 =	sld [smem:$0x3FFB];
	_ =	sdelay $0x3  }
0x95: {  	_ =	strace s6  }
0x96: {  	s6 =	sld [smem:$0x3FFC];
	_ =	sdelay $0x3  }
0x97: {  	_ =	strace s6  }
0x98: {  	s6 =	sld [smem:$0x3FFD];
	_ =	sdelay $0x3  }
0x99: {  	_ =	strace s6  }
0x9a: {  	_ =	strace $0x8FFFFFFF  }
0x9b: {  	s19 =	sld [smem:$0x3FDB];
	_ =	sdelay $0x1  }
0x9c: {  	s7 =	simm.s32 $_scs_section_size  }
0x9d: {  	s8 =	simm.s32 $_size__tile_overlayer_lowered;
	s9 =	simm.s32 $_tile_overlayer_lowered  }
0x9e: {  	s22 =	simm.s32 $0x1BFF;
	s21 =	sshll.u32 s9, $0x1;
	s6 =	sadd.s32 s7, s19  }
0x9f: {  	s10 =	simm.s32 $0x0;
	s20 =	sshll.u32 s8, $0x1;
	s8 =	sadd.s32 s21, s6  }
0xa0: {  	[timem:s10], [sflag:s22] =	dma.local [hbm:s8], s20  }
0xa1: {  	_ =	swait.ge [sflag:s22], s20  }
0xa2: {  	s7 =	ssub.s32 $0x0, s20;
	[sflag:s22] =	ssyncset.done $0x0  }
0xa3: {  	[sflag:s22] =	ssyncadd.s32 s7;
	_ =	sdelay $0x1  }
0xa4: {  	s23 =	simm.s32 $0x1B8B  }
0xa5: {  	_ =	swait.ge [sflag:s23], $0x1  }
0xa6: {  	[sflag:s23] =	ssyncset.done $0x0  }
0xa7: {  	s25 =	simm.s32 $0x1B8E;
	s24 =	sld [smem:$0x3FFE];
	[sflag:s23] =	ssyncadd.s32 $0xFFFFFFFF  }
0xa8: {  	s26 =	simm.s32 $execute0_lowered;
	[smem:$0x3FD2] =	sst s25  }
0xa9: {  	s8 =	sshll.u32 s26, $0x1;
	_ =	strace $0x80000046;
	[dreg:$0x1] =	wrdreg $0xFFFFFFFF  }
0xaa: {  	s28 =	simm.s32 $_size_execute0_lowered;
	s6 =	sadd.s32 s6, s8;
	[dreg:$0x0] =	wrdreg $0x0  }
0xab: {  	s8 =	sshll.u32 s28, $0x1;
	[dreg:$0x2] =	wrdreg s6  }
0xac: {  	[dreg:$0x3] =	wrdreg s8  }
0xad: {  	[dreg:$0x4] =	wrdreg $0xC0  }
0xae: {  	_ =	task [dreg:s10], $0x5FFFF  }
0xaf: {  	[dreg:$0x1] =	wrdreg $0xFFFFFFFF  }
0xb0: {  	[dreg:$0x0] =	wrdreg $0x60  }
0xb1: {  	[dreg:$0x2] =	wrdreg s18  }
0xb2: {  	[dreg:$0x3] =	wrdreg s4  }
0xb3: {  	[dreg:$0x4] =	wrdreg s2  }
0xb4: {  	[dreg:$0x5] =	wrdreg s24  }
0xb5: {  	[dreg:$0x6] =	wrdreg s5  }
0xb6: {  	[dreg:$0x7] =	wrdreg $0x9  }
0xb7: {  	_ =	task.clear_ibuf [dreg:s10], $0x8FFFF;
	_ =	strace $0x90000046  }
0xb8: {  	s29 =	simm.s32 $0x9;
	_ =	strace $0x80000048  }
0xb9: {  	_ =	swait.ge [sflag:s29], $0x1  }
0xba: {  	[sflag:s29] =	ssyncadd.s32 $0xFFFFFFFF  }
0xbb: {  	_ =	strace $0x90000048  }
0xbc: {  	_ =	sfence  }
0xbd: {  	s30 =	sld [smem:$0x0];
	_ =	sdelay $0x2  }
0xbe: {  	s31 =	sshll.u32 s1, $0xD;
	s1 =	sshrl.u32 s1, $0x2  }
0xbf: {  	s3 =	sand.u32 $0x4000, s31;
	s1 =	sadd.s32 s1, s30  }
0xc0: {  	s0 =	sor.u32 s3, s0;
	s1 =	sshll.u32 s1, $0x11  }
0xc1: {  	s0 =	sor.u32 s1, s0  }
0xc2: {  	s0 =	sadd.s32 $0x8F2B, s0  }
0xc3: {  	[sflag:s0] =	ssyncadd.remote.s32 $0x1  }
0xc4: {  	_ =	sfence.sel $0xFFFF  }
0xc5: {  	[dreg:$0x0] =	wrdreg $0xFFFFFFFF;
	(pc) =	sbr.abs _section_cstart, $3  }
0xc6: {  	[dreg:$0x1] =	wrdreg $0xFFFFFFFF  }
0xc7: {  	_ =	task.clear_ibuf [dreg:s10], $0x2FFFF;
	_ =	strace $0x9FFFFFFF  }
0xc8: {  	(tm) =	ssettm $0x7FFFFFFF  }
0xc9: {  	_ =	shalt  }
tec
execute0_lowered:
.L_overlay_start_1:
0x0: {  	(tag) =	ssettag $0x1  }
0x1: {  	s1 =	rddreg [dreg:$0x0]  }
0x2: {  	s2 =	rddreg [dreg:$0x1]  }
0x3: {  	s5 =	rddreg [dreg:$0x2]  }
0x4: {  	s14 =	rddreg [dreg:$0x3]  }
0x5: {  	s3 =	srdreg.scid;
	s0 =	stileid.u32  }
0x6: {  	s16 =	rddreg [dreg:$0x4];
	s15 =	sand.u32 $0x1, s3;
	s6 =	sshll.u32 s0, $0x1  }
0x7: {  	s4 =	simm.s32 $0x0;
	s3 =	rddreg [dreg:$0x5];
	s17 =	sor.u32 s15, s6  }
0x8: {  	[smem:$0x7FF] =	sst s4;
	s6 =	sshll.u32 s17, $0x1  }
0x9: {  	_ =	strace $0x80000047;
	s6 =	sadd.s32 s5, s6;
	s5 =	simm.s32 $0x3  }
0xa: {  	[tilespmem:s4], [sflag:$0x3] =	stream.linear.gather [hbm4b:s6+s4], $0x10, $0x38;
	[tilespmem:$0x1900] =	vst v63  }
0xb: {  	s7 =	sshll.u32 s17, $0x2;
	_ =	swait.ge [sflag:s5], $0x10  }
0xc: {  	s7 =	sadd.s32 s7, s14;
	[sflag:s5] =	ssyncset.done $0x0  }
0xd: {  	s8 =	simm.s32 $0x880;
	s7 =	sadd.s32 $0x3800, s7;
	[sflag:s5] =	ssyncadd.s32 $0xFFFFFFF0  }
0xe: {  	[tilespmem:s8], [sflag:$0x3] =	stream.linear.gather [hbm4b:s7+s4], $0x20, $0x38;
	[tilespmem:$0x1900] =	vst v63  }
0xf: {  	_ =	swait.ge [sflag:s5], $0x20  }
0x10: {  	[sflag:s5] =	ssyncset.done $0x0  }
0x11: {  	s9 =	simm.s32 $0x10;
	s10 =	simm.s32 $0x80;
	[sflag:s5] =	ssyncadd.s32 $0xFFFFFFE0  }
0x12: {  	[tilespmem:s10], [sflag:$0x1] =	stream.indirect.gather [hbm4b:s1+s9], $0x80, s4, s9, $0xb8;
	[tilespmem:$0x1900] =	vst v63  }
0x13: {  	s11 =	simm.s32 $0x20;
	s12 =	simm.s32 $0x900;
	s13 =	simm.s32 $0x1  }
0x14: {  	[tilespmem:s12], [sflag:$0x2] =	stream.indirect.gather [hbm4b:s2+s11], $0x80, s8, s11, $0xb8;
	[tilespmem:$0x1900] =	vst v63  }
0x15: {  	s18 =	sshll.u32 s17, $0x8;
	_ =	swait.ge [sflag:s13], $0x800  }
0x16: {  	s14 =	sadd.s32 s18, s14;
	[sflag:s13] =	ssyncset.done $0x0  }
0x17: {  	s30 =	ssub.s32 $0x2, s15;
	s14 =	sadd.s32 $0x3A00, s14;
	[sflag:s13] =	ssyncadd.s32 $0xFFFFF800  }
0x18: {  	[hbm4b:s14+s4] =	stream.linear.scatter [tilespmem:s10], [sflag:$0x3], $0x800, $0x38;
	[tilespmem:$0x1900] =	vst v63  }
0x19: {  	s19 =	sshrl.u32 s30, $0x1;
	_ =	swait.ge [sflag:s5], $0x800  }
0x1a: {  	s18 =	ssub.s32 s30, s19;
	[sflag:s5] =	ssyncset.done $0x0  }
0x1b: {  	s15 =	simm.s32 $0x2;
	s31 =	smax.u32 s18, $0x1;
	[sflag:s5] =	ssyncadd.s32 $0xFFFFF800  }
0x1c: {  	p0 =	sne.s32 s31, $0x1;
	_ =	swait.ge [sflag:s15], $0x1000  }
.Ltmp0:
0x1d: {  	s17 =	sshll.u32 s17, $0x9;
	[sflag:s15] =	ssyncset.done $0x0;
	(pc) =	sbr.rel @!p0 .LBB2_2-.Ltmp0, $4  }
0x1e: {  	s16 =	sadd.s32 s16, s17;
	[sflag:s15] =	ssyncadd.s32 $0xFFFFF000  }
0x1f: {  	[hbm4b:s16+s4] =	stream.linear.scatter [tilespmem:s12], [sflag:$0x3], $0x1000, $0x38;
	[tilespmem:$0x1900] =	vst v63  }
0x20: {  	_ =	swait.ge [sflag:s5], $0x1000  }
0x21: {  	s17 =	sadd.s32 $0xFFFFFFFF, s31;
	[sflag:s5] =	ssyncset.done $0x0  }
.LBB2_1:
0x22: {  	p0 =	sne.s32 s17, $0x1;
	s17 =	sadd.s32 $0xFFFFFFFF, s17;
	[sflag:s5] =	ssyncadd.s32 $0xFFFFF000  }
0x23: {  	[tilespmem:s4], [sflag:$0x3] =	stream.linear.gather [hbm4b:s6+s4], $0x10, $0x38;
	[tilespmem:$0x1900] =	vst v63  }
0x24: {  	_ =	swait.ge [sflag:s5], $0x10  }
0x25: {  	[sflag:s5] =	ssyncset.done $0x0  }
0x26: {  	[sflag:s5] =	ssyncadd.s32 $0xFFFFFFF0  }
0x27: {  	[tilespmem:s8], [sflag:$0x3] =	stream.linear.gather [hbm4b:s7+s4], $0x20, $0x38;
	[tilespmem:$0x1900] =	vst v63  }
0x28: {  	_ =	swait.ge [sflag:s5], $0x20  }
0x29: {  	[sflag:s5] =	ssyncset.done $0x0  }
0x2a: {  	[sflag:s5] =	ssyncadd.s32 $0xFFFFFFE0  }
0x2b: {  	[tilespmem:s10], [sflag:$0x1] =	stream.indirect.gather [hbm4b:s1+s9], $0x80, s4, s9, $0xb8;
	[tilespmem:$0x1900] =	vst v63  }
0x2c: {  	_ = 	snop  }
0x2d: {  	[tilespmem:s12], [sflag:$0x2] =	stream.indirect.gather [hbm4b:s2+s11], $0x80, s8, s11, $0xb8;
	[tilespmem:$0x1900] =	vst v63  }
0x2e: {  	_ =	swait.ge [sflag:s13], $0x800  }
0x2f: {  	[sflag:s13] =	ssyncset.done $0x0  }
0x30: {  	[sflag:s13] =	ssyncadd.s32 $0xFFFFF800  }
0x31: {  	[hbm4b:s14+s4] =	stream.linear.scatter [tilespmem:s10], [sflag:$0x3], $0x800, $0x38;
	[tilespmem:$0x1900] =	vst v63  }
0x32: {  	_ =	swait.ge [sflag:s5], $0x800  }
0x33: {  	[sflag:s5] =	ssyncset.done $0x0  }
0x34: {  	[sflag:s5] =	ssyncadd.s32 $0xFFFFF800  }
0x35: {  	_ =	swait.ge [sflag:s15], $0x1000  }
.Ltmp1:
0x36: {  	[sflag:s15] =	ssyncset.done $0x0;
	(pc) =	sbr.rel @p0 .LBB2_1-.Ltmp1, $4  }
0x37: {  	[sflag:s15] =	ssyncadd.s32 $0xFFFFF000  }
0x38: {  	[hbm4b:s16+s4] =	stream.linear.scatter [tilespmem:s12], [sflag:$0x3], $0x1000, $0x38;
	[tilespmem:$0x1900] =	vst v63  }
0x39: {  	_ =	swait.ge [sflag:s5], $0x1000  }
0x3a: {  	[sflag:s5] =	ssyncset.done $0x0  }
.LBB2_2:
0x3b: {  	[sflag:s5] =	ssyncadd.s32 $0xFFFFF000  }
0x3c: {  	_ =	sfence.sel $0x180000  }
0x3d: {  	[bflag:$0x0] =	sbarrier.arrive $0xFFFF  }
0x3e: {  	p0 =	sne.s32 s0, $0x0;
	_ =	strace $0x90000047  }
0x3f: {  	s0 =	sadd.s32 @!p0 $0x100000, s3;
	[bflag:$0x2] =	sbarrier.arrive $0xFFFF  }
0x40: {  	[sflag:s0] =	ssyncadd.tile.s32 @!p0 $0x1;
	_ =	shalt  }
.Lfunc_end2:
_tile_overlayer_lowered:
.L_overlay_start_2:
0x41: {  	(tag) =	ssettag $0x2  }
0x42: {  	s0 =	rddreg [dreg:$0x0];
	s2 =	stileid.u32  }
0x43: {  	s1 =	rddreg [dreg:$0x1];
	p0 =	sne.s32 s2, $0x0  }
0x44: {  	s3 =	rddreg [dreg:$0x2];
	[bflag:$0x3] =	sbarrier.arrive $0xFFFF;
	s2 =	simm.s32 @!p0 $0x1C03  }
0x45: {  	[timem:s3], [sflag:s2] =	dma.local @!p0 [hbm:s0], s1  }
0x46: {  	s0 =	simm.s32 @!p0 $0x3  }
0x47: {  	_ =	swait.ge @!p0 [sflag:s0], s1  }
0x48: {  	s1 =	ssub.s32 @!p0 $0x0, s1;
	[sflag:s0] =	ssyncset.done @!p0 $0x0  }
0x49: {  	[sflag:s0] =	ssyncadd.s32 @!p0 s1  }
0x4a: {  	[bflag:$0x3] =	sbarrier.arrive $0xFFFF  }
0x4b: {  	_ =	shalt  }

</sc_bundles>
